<compile_context>
chip_gen: v7x
topology: tpu7x:2x2x1
jax: 0.10.2.dev20260603
libtpu: 0.0.44.dev20260713+nightly
codegen_flags: <defaults>
</compile_context>

<pallas_src>
import functools
import math

import jax
import jax.numpy as jnp
from jax.experimental import pallas as pl
from jax.experimental.pallas import tpu as pltpu
from jax.experimental.pallas import tpu_sc as plsc

NEG = float(jnp.finfo(jnp.float32).min)
STREAMING_RATIO, SELECTING_RATIO, RECENT_RATIO = 0.02, 0.06, 0.12


def _k1_body(hs_ref, qw_ref, kw_ref, vw_ref, cos_ref, sin_ref,
             q_ref, k_ref, v_ref, *, D):
    x = hs_ref[...].astype(jnp.bfloat16)
    dnum_t = (((1,), (1,)), ((), ()))
    f32 = jnp.float32
    bf = jnp.bfloat16
    q = jax.lax.dot_general(x, qw_ref[...].astype(bf), dnum_t,
                            preferred_element_type=f32)
    k = jax.lax.dot_general(x, kw_ref[...].astype(bf), dnum_t,
                            preferred_element_type=f32)
    v = jax.lax.dot_general(x, vw_ref[...].astype(bf), dnum_t,
                            preferred_element_type=f32)
    cos, sin = cos_ref[...], sin_ref[...]
    half = D // 2
    qr = jnp.concatenate([-q[:, half:], q[:, :half]], axis=1)
    kr = jnp.concatenate([-k[:, half:], k[:, :half]], axis=1)
    q_ref[...] = q * cos + qr * sin
    k_ref[...] = k * cos + kr * sin
    v_ref[...] = v


def _k1(hs, q_wp, k_wp, v_w, cos_f, sin_f, blk):
    S, D = hs.shape
    grid = (S // blk,)
    bs_x = pl.BlockSpec((blk, D), lambda i: (i, 0))
    bs_w = pl.BlockSpec((D, D), lambda i: (0, 0))
    out = jax.ShapeDtypeStruct((S, D), jnp.float32)
    return pl.pallas_call(
        functools.partial(_k1_body, D=D),
        grid=grid,
        in_specs=[bs_x, bs_w, bs_w, bs_w, bs_x, bs_x],
        out_specs=[bs_x, bs_x, bs_x],
        out_shape=[out, out, out],
    )(hs, q_wp, k_wp, v_w, cos_f, sin_f)


def _k2_body(q_ref, k_ref, probs_ref, ss0_ref, *, blk, cache, scale):
    r = pl.program_id(1)
    qb = q_ref[0].astype(jnp.bfloat16)
    kb = k_ref[0].astype(jnp.bfloat16)
    s = jax.lax.dot_general(qb, kb, (((1,), (1,)), ((), ())),
                            preferred_element_type=jnp.float32) * scale
    t = r * blk + jax.lax.broadcasted_iota(jnp.int32, (blk, 1), 0)
    j = jax.lax.broadcasted_iota(jnp.int32, s.shape, 1)
    s = jnp.where(j <= t, s, NEG)
    m = jnp.max(s, axis=1, keepdims=True)
    e = jnp.exp(s - m)
    z = jnp.sum(e, axis=1, keepdims=True)
    p = e / z
    probs_ref[0] = p
    contrib = jnp.sum(jnp.where(t >= cache, p, 0.0), axis=0, keepdims=True)

    @pl.when(r == 0)
    def _():
        ss0_ref[0] = contrib

    @pl.when(r > 0)
    def _():
        ss0_ref[0] += contrib


def _k2(q, k, blk, cache):
    H, S, DH = q.shape
    scale = 1.0 / math.sqrt(DH)
    grid = (H, S // blk)
    body = functools.partial(_k2_body, blk=blk, cache=cache, scale=scale)
    return pl.pallas_call(
        body,
        grid=grid,
        in_specs=[pl.BlockSpec((1, blk, DH), lambda h, r: (h, r, 0)),
                  pl.BlockSpec((1, S, DH), lambda h, r: (h, 0, 0))],
        out_specs=[pl.BlockSpec((1, blk, S), lambda h, r: (h, r, 0)),
                   pl.BlockSpec((1, 1, S), lambda h, r: (h, 0, 0))],
        out_shape=[jax.ShapeDtypeStruct((H, S, S), jnp.float32),
                   jax.ShapeDtypeStruct((H, 1, S), jnp.float32)],
    )(q, k)


def _k3_sc(probs, ss0, cache):
    H, S, _ = probs.shape
    sb = int(math.floor(STREAMING_RATIO * S + 0.5))
    rb = int(math.floor(RECENT_RATIO * S + 0.5))
    L = 16
    NCH = S // L
    INF = jnp.float32(jnp.inf)
    mesh = plsc.VectorSubcoreMesh(core_axis_name="c", subcore_axis_name="s")

    @functools.partial(
        pl.kernel, mesh=mesh,
        out_type=jax.ShapeDtypeStruct((H, S), jnp.int32),
        scratch_types=[
            pltpu.VMEM((S,), jnp.float32),
            pltpu.VMEM((S,), jnp.int32),
            pltpu.VMEM((S,), jnp.float32),
            pltpu.VMEM((S,), jnp.float32),
            pltpu.VMEM((L,), jnp.int32),
            pltpu.SemaphoreType.DMA,
            pltpu.SemaphoreType.DMA,
        ],
    )
    def k(probs_hbm, ss0_hbm, et_hbm, ss_v, et_v, buf0, buf1, ri_v,
          sem0, sem1):
        c = jax.lax.axis_index("c")
        s = jax.lax.axis_index("s")

        @pl.when(c == 0)
        def _():
            h = s
            pltpu.sync_copy(ss0_hbm.at[h], ss_v)

            def init(i, _):
                et_v[pl.ds(i * L, L)] = jnp.full((L,), S, dtype=jnp.int32)
                return 0
            jax.lax.fori_loop(0, NCH, init, 0)

            iota = jax.lax.iota(jnp.int32, L)
            lane0 = iota == 0

            def splat_reduce(v, combine):
                acc = jnp.full((L,), v[0])
                for kk in range(1, L):
                    acc = combine(acc, jnp.full((L,), v[kk]))
                return acc

            def bsum(v):
                return splat_reduce(v, jnp.add)

            def bargmin(m, idx):
                mv = splat_reduce(m, jnp.minimum)
                cand = jnp.where(m == mv, idx, 2 * S)
                mi = splat_reduce(cand, jnp.minimum)
                return mv, mi

            def process(row_ref, t):
                nch_t = t // L + 1

                def c1(i, zacc):
                    sl = pl.ds(i * L, L)
                    rv = row_ref[sl]
                    sv = ss_v[sl]
                    return zacc + jnp.where(sv < INF, rv, 0.0)
                zacc = jax.lax.fori_loop(0, nch_t, c1,
                                         jnp.zeros((L,), jnp.float32))
                zs = bsum(zacc)
                tf1 = (t + 1).astype(jnp.float32)
                thi = t - rb

                def c2(i, carry):
                    m, idx = carry
                    sl = pl.ds(i * L, L)
                    rv = row_ref[sl]
                    sv = ss_v[sl]
                    ssn = sv + rv / zs
                    ss_v[sl] = ssn
                    jv = iota + i * L
                    tmp = ssn / (tf1 - jv.astype(jnp.float32))
                    ok = (jv >= sb) & (jv <= thi)
                    tmp = jnp.where(ok, tmp, INF)
                    pred = tmp < m
                    return (jnp.where(pred, tmp, m),
                            jnp.where(pred, jv, idx))
                m, idx = jax.lax.fori_loop(
                    0, nch_t, c2,
                    (jnp.full((L,), INF),
                     jnp.full((L,), 2 * S, dtype=jnp.int32)))
                _, miv = bargmin(m, idx)
                ri_v[...] = miv
                mis = ri_v[...][0]
                off = pl.multiple_of((mis // L) * L, L)
                sl = pl.ds(off, L)
                jv = iota + off
                hit = jv == miv
                ss_v[sl] = jnp.where(hit, INF, ss_v[sl])
                et_v[sl] = jnp.where(hit, t, et_v[sl])

            t_lo, t_hi = cache, S - 2
            pltpu.async_copy(probs_hbm.at[h, t_lo], buf0, sem0)

            def pair(p, _):
                t0 = t_lo + 2 * p

                @pl.when(t0 + 1 <= t_hi)
                def _():
                    pltpu.async_copy(probs_hbm.at[h, t0 + 1], buf1, sem1)

                pltpu.make_async_copy(probs_hbm.at[h, t0], buf0, sem0).wait()
                process(buf0, t0)

                @pl.when(t0 + 2 <= t_hi)
                def _():
                    pltpu.async_copy(probs_hbm.at[h, t0 + 2], buf0, sem0)

                @pl.when(t0 + 1 <= t_hi)
                def _():
                    pltpu.make_async_copy(probs_hbm.at[h, t0 + 1], buf1,
                                          sem1).wait()
                    process(buf1, t0 + 1)

                return 0

            npairs = (t_hi - t_lo) // 2 + 1
            jax.lax.fori_loop(0, npairs, pair, 0)
            pltpu.sync_copy(et_v, et_hbm.at[h])

    return k(probs, ss0)


def _k4_body(probs_ref, et_ref, v_ref, out_ref, *, blk):
    qb = pl.program_id(1)
    p = probs_ref[0]
    et = et_ref[0]
    t = qb * blk + jax.lax.broadcasted_iota(jnp.int32, (blk, 1), 0)
    keep = et >= t
    pm = jnp.where(keep, p, 0.0)
    zs = jnp.sum(pm, axis=1, keepdims=True)
    pn = (pm / zs).astype(jnp.bfloat16)
    o = jax.lax.dot_general(pn, v_ref[0].astype(jnp.bfloat16),
                            (((1,), (0,)), ((), ())),
                            preferred_element_type=jnp.float32)
    out_ref[0] = o


def _k4(probs, et, v, blk):
    H, S, _ = probs.shape
    DH = v.shape[2]
    body = functools.partial(_k4_body, blk=blk)
    return pl.pallas_call(
        body,
        grid=(H, S // blk),
        in_specs=[pl.BlockSpec((1, blk, S), lambda h, q: (h, q, 0)),
                  pl.BlockSpec((1, 1, S), lambda h, q: (h, 0, 0)),
                  pl.BlockSpec((1, S, DH), lambda h, q: (h, 0, 0))],
        out_specs=pl.BlockSpec((1, blk, DH), lambda h, q: (h, q, 0)),
        out_shape=jax.ShapeDtypeStruct((H, S, DH), jnp.float32),
    )(probs, et, v)


def _k5_body(x_ref, w_ref, o_ref):
    o_ref[...] = jax.lax.dot_general(x_ref[...].astype(jnp.bfloat16),
                                     w_ref[...].astype(jnp.bfloat16),
                                     (((1,), (1,)), ((), ())),
                                     preferred_element_type=jnp.float32)


def _k5(x, w, blk):
    S, D = x.shape
    return pl.pallas_call(
        _k5_body,
        grid=(S // blk,),
        in_specs=[pl.BlockSpec((blk, D), lambda i: (i, 0)),
                  pl.BlockSpec((D, D), lambda i: (0, 0))],
        out_specs=pl.BlockSpec((blk, D), lambda i: (i, 0)),
        out_shape=jax.ShapeDtypeStruct((S, D), jnp.float32),
    )(x, w)


def kernel(hidden_states, attention_mask, position_ids, q_w, k_w, v_w, o_w):
    B, S, D = hidden_states.shape
    H = 16
    DH = D // H
    sb = int(math.floor(STREAMING_RATIO * S + 0.5))
    selb = int(math.floor(SELECTING_RATIO * S + 0.5))
    rb = int(math.floor(RECENT_RATIO * S + 0.5))
    cache = sb + selb + rb

    hs = hidden_states[0]

    inv_freq = 1.0 / (10000.0 ** (jnp.arange(0, DH, 2, dtype=jnp.float32) / DH))
    tpos = jnp.arange(S, dtype=jnp.float32)
    freqs = jnp.einsum('i,j->ij', tpos, inv_freq)
    emb = jnp.concatenate([freqs, freqs], axis=-1)
    cos = jnp.cos(emb)[position_ids[0]]
    sin = jnp.sin(emb)[position_ids[0]]
    half = DH // 2
    cos_f = jnp.tile(cos[:, :half], (1, D // half))
    sin_f = jnp.tile(sin[:, :half], (1, D // half))
    q_wp = q_w.reshape(H, 2, half, D).transpose(1, 0, 2, 3).reshape(D, D)
    k_wp = k_w.reshape(H, 2, half, D).transpose(1, 0, 2, 3).reshape(D, D)

    q2, k2, v2 = _k1(hs, q_wp, k_wp, v_w, cos_f, sin_f, blk=256)

    def heads_perm(x):
        return x.reshape(S, 2, H, half).transpose(2, 0, 1, 3).reshape(H, S, DH)

    qh = heads_perm(q2)
    kh = heads_perm(k2)
    vh = v2.reshape(S, H, DH).transpose(1, 0, 2)

    probs, ss0 = _k2(qh, kh, blk=128, cache=cache)
    et = _k3_sc(probs, ss0.reshape(H, S), cache=cache)
    oh = _k4(probs, et.reshape(H, 1, S), vh, blk=256)

    merged = oh.transpose(1, 0, 2).reshape(S, D)
    out = _k5(merged, o_w, blk=256)
    return out.reshape(B, S, D)

# --- scband reference (transcript-rebuilt; emitter-appended) ---
"""Pipeline reference for scband-llama-attention-heavy-hitter-8108898255541 (READ-ONLY COPY).

The authoritative reference and input builder live on the scoring server;
editing this copy changes nothing except your own understanding.
"""

import math
import jax, jax.numpy as jnp
import numpy as np

B, S, D, H = 1, 2048, 1024, 16
DH = D // H
STREAMING_RATIO, SELECTING_RATIO, RECENT_RATIO = 0.02, 0.06, 0.12
NEG = float(np.finfo(np.float32).min)


def setup_inputs(seed: int = 0) -> dict:
    key = jax.random.key(seed)
    ks = jax.random.split(key, 6)
    hidden_states = jax.random.normal(ks[0], (B, S, D), dtype=jnp.float32)
    # causal attention mask, additive: 0 on/below diagonal, finfo.min above
    causal = jnp.triu(jnp.full((S, S), NEG, dtype=jnp.float32), k=1)
    attention_mask = jnp.broadcast_to(causal[None, None, :, :], (B, 1, S, S))
    position_ids = jnp.broadcast_to(jnp.arange(S, dtype=jnp.int32)[None, :], (B, S))
    q_w = 0.02 * jax.random.normal(ks[1], (D, D), dtype=jnp.float32)
    k_w = 0.02 * jax.random.normal(ks[2], (D, D), dtype=jnp.float32)
    v_w = 0.02 * jax.random.normal(ks[3], (D, D), dtype=jnp.float32)
    o_w = 0.02 * jax.random.normal(ks[4], (D, D), dtype=jnp.float32)
    return {"hidden_states": hidden_states, "attention_mask": attention_mask, "position_ids": position_ids, "q_w": q_w, "k_w": k_w, "v_w": v_w, "o_w": o_w}


def _rotate_half(x):
    return jnp.concatenate([-x[..., DH // 2:], x[..., :DH // 2]], axis=-1)


def factoring_average_mask(input_attn_weights, sb, selb, rb):
    aw = jax.nn.softmax(input_attn_weights.astype(jnp.float32), axis=-1)
    Sl = aw.shape[-1]
    cache = sb + selb + rb
    select_score0 = jnp.sum(aw[:, :, cache:, :], axis=-2)
    attn_mask0 = jnp.ones(aw.shape, dtype=bool)
    j = jnp.arange(Sl)

    def body(t, carry):
        ss, am = carry
        cs = jnp.take(aw, t, axis=2)
        cm = jnp.take(am, t, axis=2)
        cs = cs * cm
        cs = cs / jnp.sum(cs, axis=-1, keepdims=True)
        ss = ss + cs
        denom = (t + 1 - j).astype(jnp.float32)
        tmp = ss / denom
        valid = (j >= sb) & (j <= t - rb)
        tmp = jnp.where(valid[None, None, :], tmp, jnp.inf)
        mi = jnp.argmin(tmp, axis=-1)[..., None]
        ss = jnp.where(j[None, None, :] == mi, jnp.inf, ss)
        new_row = cm & (j[None, None, :] != mi)
        am = jax.lax.dynamic_update_slice_in_dim(am, new_row[:, :, None, :], t + 1, axis=2)
        return (ss, am)

    _, am = jax.lax.fori_loop(cache, Sl - 1, body, (select_score0, attn_mask0))
    return am


def reference(hidden_states, attention_mask, position_ids, q_w, k_w, v_w, o_w):
    sb = int(math.floor(STREAMING_RATIO * S + 0.5))
    selb = int(math.floor(SELECTING_RATIO * S + 0.5))
    rb = int(math.floor(RECENT_RATIO * S + 0.5))

    q = (hidden_states @ q_w.T).reshape(B, S, H, DH).transpose(0, 2, 1, 3)
    k = (hidden_states @ k_w.T).reshape(B, S, H, DH).transpose(0, 2, 1, 3)
    v = (hidden_states @ v_w.T).reshape(B, S, H, DH).transpose(0, 2, 1, 3)

    inv_freq = 1.0 / (10000.0 ** (jnp.arange(0, DH, 2, dtype=jnp.float32) / DH))
    tpos = jnp.arange(S, dtype=jnp.float32)
    freqs = jnp.einsum('i,j->ij', tpos, inv_freq)
    emb = jnp.concatenate([freqs, freqs], axis=-1)
    cos = jnp.cos(emb)[position_ids][:, None, :, :]
    sin = jnp.sin(emb)[position_ids][:, None, :, :]
    q = q * cos + _rotate_half(q) * sin
    k = k * cos + _rotate_half(k) * sin

    aw = jnp.matmul(q, jnp.swapaxes(k, -1, -2)) / math.sqrt(DH)
    aw = aw + attention_mask
    aw = jnp.maximum(aw, NEG)

    mask_bottom = factoring_average_mask(jax.lax.stop_gradient(aw), sb, selb, rb)
    aw = jnp.where(mask_bottom, aw, jnp.min(attention_mask))

    probs = jax.nn.softmax(aw.astype(jnp.float32), axis=-1).astype(q.dtype)
    out = jnp.matmul(probs, v)
    out = out.transpose(0, 2, 1, 3).reshape(B, S, D)
    out = out @ o_w.T
    return out

if __name__ == "__main__":
    import jax
    _d = setup_inputs()
    print(jax.jit(kernel)(*tuple(_d.values())))

</pallas_src>

<mosaic_0001>
#map = affine_map<(d0, d1) -> (0, 0, 0)>
#map1 = affine_map<(d0, d1) -> (0, 0)>
#map2 = affine_map<(d0, d1) -> (0)>
module attributes {stable_mosaic.version = 14 : i64} {
  func.func @_rewritten_body(%arg0: i32, %arg1: i32, %arg2: memref<16x2048x2048xf32, #tpu.memory_space<hbm>>, %arg3: memref<16x2048xf32, #tpu.memory_space<hbm>>, %arg4: memref<1xf32, #tpu.memory_space<hbm>>, %arg5: memref<16x2048xi32, #tpu.memory_space<hbm>>, %arg6: memref<2048xf32, #tpu.memory_space<vmem>>, %arg7: memref<2048xi32, #tpu.memory_space<vmem>>, %arg8: memref<2048xf32, #tpu.memory_space<vmem>>, %arg9: memref<2048xf32, #tpu.memory_space<vmem>>, %arg10: memref<16xi32, #tpu.memory_space<vmem>>, %arg11: memref<!tpu.dma_semaphore, #tpu.memory_space<semaphore_mem>>, %arg12: memref<!tpu.dma_semaphore, #tpu.memory_space<semaphore_mem>>) attributes {dimension_semantics = [#tpu.dimension_semantics<core_parallel>, #tpu.dimension_semantics<subcore_parallel>], iteration_bounds = array<i64: 2, 16>, scalar_prefetch = 0 : i64, scratch_operands = 7 : i64, tpu.core_type = #tpu.core_type<sc_vector_subcore>, window_params = [{transform_indices = #map}, {transform_indices = #map1}, {transform_indices = #map2}, {transform_indices = #map1}]} {
    %empty_ref3A = memref.alloca() : memref<16xf32, #tpu.memory_space<vmem>>
    "tpu.region"() ({
      %run_scoped3A = tpu.sem_alloc : memref<!tpu.dma_semaphore, #tpu.memory_space<semaphore_mem>>
      %dma_start3A = arith.constant 0 : i32
      %dma_start3A_4 = tpu.memref_slice %empty_ref3A[%dma_start3A] : memref<16xf32, #tpu.memory_space<vmem>> -> memref<1xf32, #tpu.memory_space<vmem>>
      %dma_start3A_5 = arith.constant 0 : i32
      %dma_start3A_6 = tpu.memref_slice %empty_ref3A[%dma_start3A_5] : memref<16xf32, #tpu.memory_space<vmem>> -> memref<1xf32, #tpu.memory_space<vmem>>
      tpu.enqueue_dma source(%arg4 : memref<1xf32, #tpu.memory_space<hbm>>) target(%dma_start3A_6 : memref<1xf32, #tpu.memory_space<vmem>>) target_semaphore(%run_scoped3A : memref<!tpu.dma_semaphore, #tpu.memory_space<semaphore_mem>>)
      %dma_wait3A = arith.constant 0 : i32
      %dma_wait3A_7 = tpu.memref_slice %empty_ref3A[%dma_wait3A] : memref<16xf32, #tpu.memory_space<vmem>> -> memref<1xf32, #tpu.memory_space<vmem>>
      %dma_wait3A_8 = arith.constant 0 : i32
      %dma_wait3A_9 = tpu.memref_slice %empty_ref3A[%dma_wait3A_8] : memref<16xf32, #tpu.memory_space<vmem>> -> memref<1xf32, #tpu.memory_space<vmem>>
      tpu.wait_dma2 semaphore(%run_scoped3A : memref<!tpu.dma_semaphore, #tpu.memory_space<semaphore_mem>>) src(%arg4 : memref<1xf32, #tpu.memory_space<hbm>>) dst(%dma_wait3A_9 : memref<1xf32, #tpu.memory_space<vmem>>)
      tpu.yield
    }) : () -> ()
    %get3A = arith.constant 0 : index
    %get3A_0 = tpu.vector_load %empty_ref3A[%get3A] {strides = array<i32>} : memref<16xf32, #tpu.memory_space<vmem>>, vector<16xf32>,
    %get3A_1 = vector.shape_cast %get3A_0 : vector<16xf32> to vector<16xf32>
    %slice3A = vector.extract_strided_slice %get3A_1 {offsets = [0], sizes = [1], strides = [1]} : vector<16xf32> to vector<1xf32>
    %squeeze3A = vector.extract %slice3A[0] : f32 from vector<1xf32>
    %eq3A = arith.constant 0 : i32
    %eq3A_2 = arith.cmpi eq, %arg0, %eq3A : i32
    %convert_element_type3A = arith.extui %eq3A_2 : i1 to i32
    %cond3A = arith.constant 0 : i32
    %cond3A_3 = arith.cmpi ne, %convert_element_type3A, %cond3A : i32
    scf.if %cond3A_3 {
      "tpu.region"() ({
        %run_scoped3A = tpu.sem_alloc : memref<!tpu.dma_semaphore, #tpu.memory_space<semaphore_mem>>
        %dma_start3A_26 = arith.constant 0 : i32
        %dma_start3A_27 = tpu.memref_slice %arg3[%arg1, %dma_start3A_26] : memref<16x2048xf32, #tpu.memory_space<hbm>> -> memref<1x2048xf32, #tpu.memory_space<hbm>>
        %dma_start3A_28 = tpu.memref_squeeze %dma_start3A_27 : memref<1x2048xf32, #tpu.memory_space<hbm>> -> memref<2048xf32, #tpu.memory_space<hbm>>
        %dma_start3A_29 = arith.constant 0 : i32
        %dma_start3A_30 = tpu.memref_slice %arg3[%arg1, %dma_start3A_29] : memref<16x2048xf32, #tpu.memory_space<hbm>> -> memref<1x2048xf32, #tpu.memory_space<hbm>>
        %dma_start3A_31 = tpu.memref_squeeze %dma_start3A_30 : memref<1x2048xf32, #tpu.memory_space<hbm>> -> memref<2048xf32, #tpu.memory_space<hbm>>
        tpu.enqueue_dma source(%dma_start3A_31 : memref<2048xf32, #tpu.memory_space<hbm>>) target(%arg6 : memref<2048xf32, #tpu.memory_space<vmem>>) target_semaphore(%run_scoped3A : memref<!tpu.dma_semaphore, #tpu.memory_space<semaphore_mem>>)
        %dma_wait3A = arith.constant 0 : i32
        %dma_wait3A_32 = tpu.memref_slice %arg3[%arg1, %dma_wait3A] : memref<16x2048xf32, #tpu.memory_space<hbm>> -> memref<1x2048xf32, #tpu.memory_space<hbm>>
        %dma_wait3A_33 = tpu.memref_squeeze %dma_wait3A_32 : memref<1x2048xf32, #tpu.memory_space<hbm>> -> memref<2048xf32, #tpu.memory_space<hbm>>
        %dma_wait3A_34 = arith.constant 0 : i32
        %dma_wait3A_35 = tpu.memref_slice %arg3[%arg1, %dma_wait3A_34] : memref<16x2048xf32, #tpu.memory_space<hbm>> -> memref<1x2048xf32, #tpu.memory_space<hbm>>
        %dma_wait3A_36 = tpu.memref_squeeze %dma_wait3A_35 : memref<1x2048xf32, #tpu.memory_space<hbm>> -> memref<2048xf32, #tpu.memory_space<hbm>>
        tpu.wait_dma2 semaphore(%run_scoped3A : memref<!tpu.dma_semaphore, #tpu.memory_space<semaphore_mem>>) src(%dma_wait3A_36 : memref<2048xf32, #tpu.memory_space<hbm>>) dst(%arg6 : memref<2048xf32, #tpu.memory_space<vmem>>)
        tpu.yield
      }) : () -> ()
      %scan3A = arith.constant 0 : i32
      %scan3A_4 = arith.constant 0 : i32
      %scan3A_5 = arith.constant 128 : i32
      %scan3A_6 = arith.addi %scan3A_4, %scan3A_5 : i32
      %scan3A_7 = arith.constant 1 : i32
      %scan3A_8 = scf.for %scan3A_26 = %scan3A_4 to %scan3A_6 step %scan3A_7 iter_args(%scan3A_27 = %scan3A) -> (i32)  : i32 {
        %broadcast_in_dim3A = arith.constant 2048 : i32
        %broadcast_in_dim3A_28 = vector.broadcast %broadcast_in_dim3A : i32 to vector<16xi32>
        %mul3A = arith.constant 16 : i32
        %mul3A_29 = arith.muli %scan3A_26, %mul3A : i32
        %swap3A = arith.index_cast %mul3A_29 : i32 to index
        %swap3A_30 = tpu.vector_load %arg7[%swap3A] {strides = array<i32>} : memref<2048xi32, #tpu.memory_space<vmem>>, vector<16xi32>,
        %swap3A_31 = vector.shape_cast %swap3A_30 : vector<16xi32> to vector<16xi32>
        %swap3A_32 = vector.shape_cast %broadcast_in_dim3A_28 : vector<16xi32> to vector<16xi32>
        tpu.vector_store %arg7[%swap3A], %swap3A_32 {strides = array<i32>} : memref<2048xi32, #tpu.memory_space<vmem>>, vector<16xi32>,
        %scan3A_33 = arith.constant 0 : i32
        scf.yield %scan3A_33 : i32
      }
      %scan3A_9 = arith.constant 128 : i32
      %iota3A = tpu.iota {dimensions = array<i32: 0>} : vector<16xi32>
      %eq3A_10 = arith.constant 0 : i32
      %eq3A_11 = vector.broadcast %eq3A_10 : i32 to vector<16xi32>
      %eq3A_12 = arith.cmpi eq, %iota3A, %eq3A_11 : vector<16xi32>
      %dma_start3A = arith.constant 410 : i32
      %dma_start3A_13 = arith.constant 0 : i32
      %dma_start3A_14 = tpu.memref_slice %arg2[%arg1, %dma_start3A, %dma_start3A_13] : memref<16x2048x2048xf32, #tpu.memory_space<hbm>> -> memref<1x1x2048xf32, #tpu.memory_space<hbm>>
      %dma_start3A_15 = tpu.memref_squeeze %dma_start3A_14 : memref<1x1x2048xf32, #tpu.memory_space<hbm>> -> memref<2048xf32, #tpu.memory_space<hbm>>
      %dma_start3A_16 = arith.constant 0 : i32
      %dma_start3A_17 = tpu.memref_slice %arg2[%arg1, %dma_start3A, %dma_start3A_16] : memref<16x2048x2048xf32, #tpu.memory_space<hbm>> -> memref<1x1x2048xf32, #tpu.memory_space<hbm>>
      %dma_start3A_18 = tpu.memref_squeeze %dma_start3A_17 : memref<1x1x2048xf32, #tpu.memory_space<hbm>> -> memref<2048xf32, #tpu.memory_space<hbm>>
      tpu.enqueue_dma source(%dma_start3A_18 : memref<2048xf32, #tpu.memory_space<hbm>>) target(%arg8 : memref<2048xf32, #tpu.memory_space<vmem>>) target_semaphore(%arg11 : memref<!tpu.dma_semaphore, #tpu.memory_space<semaphore_mem>>)
      %scan3A_19 = arith.constant 0 : i32
      %scan3A_20 = arith.constant 0 : i32
      %scan3A_21 = arith.constant 819 : i32
      %scan3A_22 = arith.addi %scan3A_20, %scan3A_21 : i32
      %scan3A_23 = arith.constant 1 : i32
      %scan3A_24 = scf.for %scan3A_26 = %scan3A_20 to %scan3A_22 step %scan3A_23 iter_args(%scan3A_27 = %scan3A_19) -> (i32)  : i32 {
        %mul3A = arith.constant 2 : i32
        %mul3A_28 = arith.muli %mul3A, %scan3A_26 : i32
        %add3A = arith.constant 410 : i32
        %add3A_29 = arith.addi %add3A, %mul3A_28 : i32
        %add3A_30 = arith.constant 1 : i32
        %add3A_31 = arith.addi %add3A_29, %add3A_30 : i32
        %le3A = arith.constant 2046 : i32
        %le3A_32 = arith.cmpi sle, %add3A_31, %le3A : i32
        %convert_element_type3A_33 = arith.extui %le3A_32 : i1 to i32
        %cond3A_34 = arith.constant 0 : i32
        %cond3A_35 = arith.cmpi ne, %convert_element_type3A_33, %cond3A_34 : i32
        scf.if %cond3A_35 {
          %add3A_351 = arith.constant 1 : i32
          %add3A_352 = arith.addi %add3A_29, %add3A_351 : i32
          %dma_start3A_353 = arith.constant 0 : i32
          %dma_start3A_354 = tpu.memref_slice %arg2[%arg1, %add3A_352, %dma_start3A_353] : memref<16x2048x2048xf32, #tpu.memory_space<hbm>> -> memref<1x1x2048xf32, #tpu.memory_space<hbm>>
          %dma_start3A_355 = tpu.memref_squeeze %dma_start3A_354 : memref<1x1x2048xf32, #tpu.memory_space<hbm>> -> memref<2048xf32, #tpu.memory_space<hbm>>
          %dma_start3A_356 = arith.constant 0 : i32
          %dma_start3A_357 = tpu.memref_slice %arg2[%arg1, %add3A_352, %dma_start3A_356] : memref<16x2048x2048xf32, #tpu.memory_space<hbm>> -> memref<1x1x2048xf32, #tpu.memory_space<hbm>>
          %dma_start3A_358 = tpu.memref_squeeze %dma_start3A_357 : memref<1x1x2048xf32, #tpu.memory_space<hbm>> -> memref<2048xf32, #tpu.memory_space<hbm>>
          tpu.enqueue_dma source(%dma_start3A_358 : memref<2048xf32, #tpu.memory_space<hbm>>) target(%arg9 : memref<2048xf32, #tpu.memory_space<vmem>>) target_semaphore(%arg12 : memref<!tpu.dma_semaphore, #tpu.memory_space<semaphore_mem>>)
        } else {
        }
        %dma_wait3A = arith.constant 0 : i32
        %dma_wait3A_36 = tpu.memref_slice %arg2[%arg1, %add3A_29, %dma_wait3A] : memref<16x2048x2048xf32, #tpu.memory_space<hbm>> -> memref<1x1x2048xf32, #tpu.memory_space<hbm>>
        %dma_wait3A_37 = tpu.memref_squeeze %dma_wait3A_36 : memref<1x1x2048xf32, #tpu.memory_space<hbm>> -> memref<2048xf32, #tpu.memory_space<hbm>>
        %dma_wait3A_38 = arith.constant 0 : i32
        %dma_wait3A_39 = tpu.memref_slice %arg2[%arg1, %add3A_29, %dma_wait3A_38] : memref<16x2048x2048xf32, #tpu.memory_space<hbm>> -> memref<1x1x2048xf32, #tpu.memory_space<hbm>>
        %dma_wait3A_40 = tpu.memref_squeeze %dma_wait3A_39 : memref<1x1x2048xf32, #tpu.memory_space<hbm>> -> memref<2048xf32, #tpu.memory_space<hbm>>
        tpu.wait_dma2 semaphore(%arg11 : memref<!tpu.dma_semaphore, #tpu.memory_space<semaphore_mem>>) src(%dma_wait3A_40 : memref<2048xf32, #tpu.memory_space<hbm>>) dst(%arg8 : memref<2048xf32, #tpu.memory_space<vmem>>)
        %jit3A = arith.constant 16 : i32
        %div3A = arith.divsi %add3A_29, %jit3A : i32
        %sign3A = arith.constant 0 : i32
        %sign3A_41 = arith.cmpi sgt, %add3A_29, %sign3A : i32
        %sign3A_42 = arith.extui %sign3A_41 : i1 to i32
        %sign3A_43 = arith.constant 0 : i32
        %sign3A_44 = arith.cmpi slt, %add3A_29, %sign3A_43 : i32
        %sign3A_45 = arith.extui %sign3A_44 : i1 to i32
        %sign3A_46 = arith.subi %sign3A_42, %sign3A_45 : i32
        %sign3A_47 = arith.constant 0 : i32
        %sign3A_48 = arith.cmpi sgt, %jit3A, %sign3A_47 : i32
        %sign3A_49 = arith.extui %sign3A_48 : i1 to i32
        %sign3A_50 = arith.constant 0 : i32
        %sign3A_51 = arith.cmpi slt, %jit3A, %sign3A_50 : i32
        %sign3A_52 = arith.extui %sign3A_51 : i1 to i32
        %sign3A_53 = arith.subi %sign3A_49, %sign3A_52 : i32
        %ne3A = arith.cmpi ne, %sign3A_46, %sign3A_53 : i32
        %rem3A = arith.remsi %add3A_29, %jit3A : i32
        %ne3A_54 = arith.constant 0 : i32
        %ne3A_55 = arith.cmpi ne, %rem3A, %ne3A_54 : i32
        %and3A = arith.andi %ne3A, %ne3A_55 : i1
        %sub3A = arith.constant 1 : i32
        %sub3A_56 = arith.subi %div3A, %sub3A : i32
        %select_n3A = arith.select %and3A, %sub3A_56, %div3A : i32
        %add3A_57 = arith.constant 1 : i32
        %add3A_58 = arith.addi %select_n3A, %add3A_57 : i32
        %broadcast_in_dim3A = arith.constant 0.000000e+00 : f32
        %broadcast_in_dim3A_59 = vector.broadcast %broadcast_in_dim3A : f32 to vector<16xf32>
        %while3A = arith.constant 0 : i32
        %while3A_60 = arith.subi %add3A_58, %while3A : i32
        %while3A_61 = arith.addi %while3A, %while3A_60 : i32
        %while3A_62 = arith.constant 1 : i32
        %while3A_63 = arith.divsi %while3A_60, %while3A_62 : i32
        %while3A_64 = arith.muli %while3A_63, %while3A_62 : i32
        %while3A_65 = arith.addi %while3A, %while3A_64 : i32
        %while3A_66 = arith.constant 1 : i32
        %while3A_67 = scf.for %while3A_351 = %while3A to %while3A_65 step %while3A_66 iter_args(%while3A_352 = %broadcast_in_dim3A_59) -> (vector<16xf32>)  : i32 {
          %mul3A_353 = arith.constant 16 : i32
          %mul3A_354 = arith.muli %while3A_351, %mul3A_353 : i32
          %get3A_355 = arith.index_cast %mul3A_354 : i32 to index
          %get3A_356 = tpu.vector_load %arg8[%get3A_355] {strides = array<i32>} : memref<2048xf32, #tpu.memory_space<vmem>>, vector<16xf32>,
          %get3A_357 = vector.shape_cast %get3A_356 : vector<16xf32> to vector<16xf32>
          %get3A_358 = arith.index_cast %mul3A_354 : i32 to index
          %get3A_359 = tpu.vector_load %arg6[%get3A_358] {strides = array<i32>} : memref<2048xf32, #tpu.memory_space<vmem>>, vector<16xf32>,
          %get3A_360 = vector.shape_cast %get3A_359 : vector<16xf32> to vector<16xf32>
          %lt3A = vector.broadcast %squeeze3A : f32 to vector<16xf32>
          %lt3A_361 = arith.cmpf olt, %get3A_360, %lt3A : vector<16xf32>
          %jit3A_362 = arith.constant 0.000000e+00 : f32
          %broadcast_in_dim3A_363 = vector.broadcast %jit3A_362 : f32 to vector<16xf32>
          %select_n3A_364 = arith.select %lt3A_361, %get3A_357, %broadcast_in_dim3A_363 : vector<16xi1>, vector<16xf32>
          %add3A_365 = arith.addf %while3A_352, %select_n3A_364 : vector<16xf32>
          scf.yield %add3A_365 : vector<16xf32>
        }
        %while3A_68 = arith.constant 1 : i32
        %while3A_69 = scf.for %while3A_351 = %while3A_65 to %while3A_61 step %while3A_68 iter_args(%while3A_352 = %while3A_67) -> (vector<16xf32>)  : i32 {
          %mul3A_353 = arith.constant 16 : i32
          %mul3A_354 = arith.muli %while3A_351, %mul3A_353 : i32
          %get3A_355 = arith.index_cast %mul3A_354 : i32 to index
          %get3A_356 = tpu.vector_load %arg8[%get3A_355] {strides = array<i32>} : memref<2048xf32, #tpu.memory_space<vmem>>, vector<16xf32>,
          %get3A_357 = vector.shape_cast %get3A_356 : vector<16xf32> to vector<16xf32>
          %get3A_358 = arith.index_cast %mul3A_354 : i32 to index
          %get3A_359 = tpu.vector_load %arg6[%get3A_358] {strides = array<i32>} : memref<2048xf32, #tpu.memory_space<vmem>>, vector<16xf32>,
          %get3A_360 = vector.shape_cast %get3A_359 : vector<16xf32> to vector<16xf32>
          %lt3A = vector.broadcast %squeeze3A : f32 to vector<16xf32>
          %lt3A_361 = arith.cmpf olt, %get3A_360, %lt3A : vector<16xf32>
          %jit3A_362 = arith.constant 0.000000e+00 : f32
          %broadcast_in_dim3A_363 = vector.broadcast %jit3A_362 : f32 to vector<16xf32>
          %select_n3A_364 = arith.select %lt3A_361, %get3A_357, %broadcast_in_dim3A_363 : vector<16xi1>, vector<16xf32>
          %add3A_365 = arith.addf %while3A_352, %select_n3A_364 : vector<16xf32>
          scf.yield %add3A_365 : vector<16xf32>
        }
        %slice3A_70 = vector.extract_strided_slice %while3A_69 {offsets = [0], sizes = [1], strides = [1]} : vector<16xf32> to vector<1xf32>
        %squeeze3A_71 = vector.extract %slice3A_70[0] : f32 from vector<1xf32>
        %broadcast_in_dim3A_72 = vector.broadcast %squeeze3A_71 : f32 to vector<16xf32>
        %slice3A_73 = vector.extract_strided_slice %while3A_69 {offsets = [1], sizes = [1], strides = [1]} : vector<16xf32> to vector<1xf32>
        %squeeze3A_74 = vector.extract %slice3A_73[0] : f32 from vector<1xf32>
        %broadcast_in_dim3A_75 = vector.broadcast %squeeze3A_74 : f32 to vector<16xf32>
        %add3A_76 = arith.addf %broadcast_in_dim3A_72, %broadcast_in_dim3A_75 : vector<16xf32>
        %slice3A_77 = vector.extract_strided_slice %while3A_69 {offsets = [2], sizes = [1], strides = [1]} : vector<16xf32> to vector<1xf32>
        %squeeze3A_78 = vector.extract %slice3A_77[0] : f32 from vector<1xf32>
        %broadcast_in_dim3A_79 = vector.broadcast %squeeze3A_78 : f32 to vector<16xf32>
        %add3A_80 = arith.addf %add3A_76, %broadcast_in_dim3A_79 : vector<16xf32>
        %slice3A_81 = vector.extract_strided_slice %while3A_69 {offsets = [3], sizes = [1], strides = [1]} : vector<16xf32> to vector<1xf32>
        %squeeze3A_82 = vector.extract %slice3A_81[0] : f32 from vector<1xf32>
        %broadcast_in_dim3A_83 = vector.broadcast %squeeze3A_82 : f32 to vector<16xf32>
        %add3A_84 = arith.addf %add3A_80, %broadcast_in_dim3A_83 : vector<16xf32>
        %slice3A_85 = vector.extract_strided_slice %while3A_69 {offsets = [4], sizes = [1], strides = [1]} : vector<16xf32> to vector<1xf32>
        %squeeze3A_86 = vector.extract %slice3A_85[0] : f32 from vector<1xf32>
        %broadcast_in_dim3A_87 = vector.broadcast %squeeze3A_86 : f32 to vector<16xf32>
        %add3A_88 = arith.addf %add3A_84, %broadcast_in_dim3A_87 : vector<16xf32>
        %slice3A_89 = vector.extract_strided_slice %while3A_69 {offsets = [5], sizes = [1], strides = [1]} : vector<16xf32> to vector<1xf32>
        %squeeze3A_90 = vector.extract %slice3A_89[0] : f32 from vector<1xf32>
        %broadcast_in_dim3A_91 = vector.broadcast %squeeze3A_90 : f32 to vector<16xf32>
        %add3A_92 = arith.addf %add3A_88, %broadcast_in_dim3A_91 : vector<16xf32>
        %slice3A_93 = vector.extract_strided_slice %while3A_69 {offsets = [6], sizes = [1], strides = [1]} : vector<16xf32> to vector<1xf32>
        %squeeze3A_94 = vector.extract %slice3A_93[0] : f32 from vector<1xf32>
        %broadcast_in_dim3A_95 = vector.broadcast %squeeze3A_94 : f32 to vector<16xf32>
        %add3A_96 = arith.addf %add3A_92, %broadcast_in_dim3A_95 : vector<16xf32>
        %slice3A_97 = vector.extract_strided_slice %while3A_69 {offsets = [7], sizes = [1], strides = [1]} : vector<16xf32> to vector<1xf32>
        %squeeze3A_98 = vector.extract %slice3A_97[0] : f32 from vector<1xf32>
        %broadcast_in_dim3A_99 = vector.broadcast %squeeze3A_98 : f32 to vector<16xf32>
        %add3A_100 = arith.addf %add3A_96, %broadcast_in_dim3A_99 : vector<16xf32>
        %slice3A_101 = vector.extract_strided_slice %while3A_69 {offsets = [8], sizes = [1], strides = [1]} : vector<16xf32> to vector<1xf32>
        %squeeze3A_102 = vector.extract %slice3A_101[0] : f32 from vector<1xf32>
        %broadcast_in_dim3A_103 = vector.broadcast %squeeze3A_102 : f32 to vector<16xf32>
        %add3A_104 = arith.addf %add3A_100, %broadcast_in_dim3A_103 : vector<16xf32>
        %slice3A_105 = vector.extract_strided_slice %while3A_69 {offsets = [9], sizes = [1], strides = [1]} : vector<16xf32> to vector<1xf32>
        %squeeze3A_106 = vector.extract %slice3A_105[0] : f32 from vector<1xf32>
        %broadcast_in_dim3A_107 = vector.broadcast %squeeze3A_106 : f32 to vector<16xf32>
        %add3A_108 = arith.addf %add3A_104, %broadcast_in_dim3A_107 : vector<16xf32>
        %slice3A_109 = vector.extract_strided_slice %while3A_69 {offsets = [10], sizes = [1], strides = [1]} : vector<16xf32> to vector<1xf32>
        %squeeze3A_110 = vector.extract %slice3A_109[0] : f32 from vector<1xf32>
        %broadcast_in_dim3A_111 = vector.broadcast %squeeze3A_110 : f32 to vector<16xf32>
        %add3A_112 = arith.addf %add3A_108, %broadcast_in_dim3A_111 : vector<16xf32>
        %slice3A_113 = vector.extract_strided_slice %while3A_69 {offsets = [11], sizes = [1], strides = [1]} : vector<16xf32> to vector<1xf32>
        %squeeze3A_114 = vector.extract %slice3A_113[0] : f32 from vector<1xf32>
        %broadcast_in_dim3A_115 = vector.broadcast %squeeze3A_114 : f32 to vector<16xf32>
        %add3A_116 = arith.addf %add3A_112, %broadcast_in_dim3A_115 : vector<16xf32>
        %slice3A_117 = vector.extract_strided_slice %while3A_69 {offsets = [12], sizes = [1], strides = [1]} : vector<16xf32> to vector<1xf32>
        %squeeze3A_118 = vector.extract %slice3A_117[0] : f32 from vector<1xf32>
        %broadcast_in_dim3A_119 = vector.broadcast %squeeze3A_118 : f32 to vector<16xf32>
        %add3A_120 = arith.addf %add3A_116, %broadcast_in_dim3A_119 : vector<16xf32>
        %slice3A_121 = vector.extract_strided_slice %while3A_69 {offsets = [13], sizes = [1], strides = [1]} : vector<16xf32> to vector<1xf32>
        %squeeze3A_122 = vector.extract %slice3A_121[0] : f32 from vector<1xf32>
        %broadcast_in_dim3A_123 = vector.broadcast %squeeze3A_122 : f32 to vector<16xf32>
        %add3A_124 = arith.addf %add3A_120, %broadcast_in_dim3A_123 : vector<16xf32>
        %slice3A_125 = vector.extract_strided_slice %while3A_69 {offsets = [14], sizes = [1], strides = [1]} : vector<16xf32> to vector<1xf32>
        %squeeze3A_126 = vector.extract %slice3A_125[0] : f32 from vector<1xf32>
        %broadcast_in_dim3A_127 = vector.broadcast %squeeze3A_126 : f32 to vector<16xf32>
        %add3A_128 = arith.addf %add3A_124, %broadcast_in_dim3A_127 : vector<16xf32>
        %slice3A_129 = vector.extract_strided_slice %while3A_69 {offsets = [15], sizes = [1], strides = [1]} : vector<16xf32> to vector<1xf32>
        %squeeze3A_130 = vector.extract %slice3A_129[0] : f32 from vector<1xf32>
        %broadcast_in_dim3A_131 = vector.broadcast %squeeze3A_130 : f32 to vector<16xf32>
        %add3A_132 = arith.addf %add3A_128, %broadcast_in_dim3A_131 : vector<16xf32>
        %add3A_133 = arith.constant 1 : i32
        %add3A_134 = arith.addi %add3A_29, %add3A_133 : i32
        %convert_element_type3A_135 = arith.sitofp %add3A_134 : i32 to f32
        %sub3A_136 = arith.constant 246 : i32
        %sub3A_137 = arith.subi %add3A_29, %sub3A_136 : i32
        %broadcast_in_dim3A_138 = vector.broadcast %squeeze3A : f32 to vector<16xf32>
        %broadcast_in_dim3A_139 = arith.constant 4096 : i32
        %broadcast_in_dim3A_140 = vector.broadcast %broadcast_in_dim3A_139 : i32 to vector<16xi32>
        %while3A_141 = arith.constant 0 : i32
        %while3A_142 = arith.subi %add3A_58, %while3A_141 : i32
        %while3A_143 = arith.addi %while3A_141, %while3A_142 : i32
        %while3A_144 = arith.constant 1 : i32
        %while3A_145 = arith.divsi %while3A_142, %while3A_144 : i32
        %while3A_146 = arith.muli %while3A_145, %while3A_144 : i32
        %while3A_147 = arith.addi %while3A_141, %while3A_146 : i32
        %while3A_148 = arith.constant 1 : i32
        %while3A_149:2 = scf.for %while3A_351 = %while3A_141 to %while3A_147 step %while3A_148 iter_args(%while3A_352 = %broadcast_in_dim3A_138, %while3A_353 = %broadcast_in_dim3A_140) -> (vector<16xf32>, vector<16xi32>)  : i32 {
          %mul3A_354 = arith.constant 16 : i32
          %mul3A_355 = arith.muli %while3A_351, %mul3A_354 : i32
          %get3A_356 = arith.index_cast %mul3A_355 : i32 to index
          %get3A_357 = tpu.vector_load %arg8[%get3A_356] {strides = array<i32>} : memref<2048xf32, #tpu.memory_space<vmem>>, vector<16xf32>,
          %get3A_358 = vector.shape_cast %get3A_357 : vector<16xf32> to vector<16xf32>
          %get3A_359 = arith.index_cast %mul3A_355 : i32 to index
          %get3A_360 = tpu.vector_load %arg6[%get3A_359] {strides = array<i32>} : memref<2048xf32, #tpu.memory_space<vmem>>, vector<16xf32>,
          %get3A_361 = vector.shape_cast %get3A_360 : vector<16xf32> to vector<16xf32>
          %div3A_362 = arith.divf %get3A_358, %add3A_132 : vector<16xf32>
          %add3A_363 = arith.addf %get3A_361, %div3A_362 : vector<16xf32>
          %swap3A_364 = arith.index_cast %mul3A_355 : i32 to index
          %swap3A_365 = tpu.vector_load %arg6[%swap3A_364] {strides = array<i32>} : memref<2048xf32, #tpu.memory_space<vmem>>, vector<16xf32>,
          %swap3A_366 = vector.shape_cast %swap3A_365 : vector<16xf32> to vector<16xf32>
          %swap3A_367 = vector.shape_cast %add3A_363 : vector<16xf32> to vector<16xf32>
          tpu.vector_store %arg6[%swap3A_364], %swap3A_367 {strides = array<i32>} : memref<2048xf32, #tpu.memory_space<vmem>>, vector<16xf32>,
          %mul3A_368 = arith.constant 16 : i32
          %mul3A_369 = arith.muli %while3A_351, %mul3A_368 : i32
          %add3A_370 = vector.broadcast %mul3A_369 : i32 to vector<16xi32>
          %add3A_371 = arith.addi %iota3A, %add3A_370 : vector<16xi32>
          %convert_element_type3A_372 = arith.sitofp %add3A_371 : vector<16xi32> to vector<16xf32>
          %sub3A_373 = vector.broadcast %convert_element_type3A_135 : f32 to vector<16xf32>
          %sub3A_374 = arith.subf %sub3A_373, %convert_element_type3A_372 : vector<16xf32>
          %div3A_375 = arith.divf %add3A_363, %sub3A_374 : vector<16xf32>
          %ge3A = arith.constant 41 : i32
          %ge3A_376 = vector.broadcast %ge3A : i32 to vector<16xi32>
          %ge3A_377 = arith.cmpi sge, %add3A_371, %ge3A_376 : vector<16xi32>
          %le3A_378 = vector.broadcast %sub3A_137 : i32 to vector<16xi32>
          %le3A_379 = arith.cmpi sle, %add3A_371, %le3A_378 : vector<16xi32>
          %and3A_380 = arith.andi %ge3A_377, %le3A_379 : vector<16xi1>
          %broadcast_in_dim3A_381 = vector.broadcast %squeeze3A : f32 to vector<16xf32>
          %select_n3A_382 = arith.select %and3A_380, %div3A_375, %broadcast_in_dim3A_381 : vector<16xi1>, vector<16xf32>
          %lt3A = arith.cmpf olt, %select_n3A_382, %while3A_352 : vector<16xf32>
          %select_n3A_383 = arith.select %lt3A, %select_n3A_382, %while3A_352 : vector<16xi1>, vector<16xf32>
          %select_n3A_384 = arith.select %lt3A, %add3A_371, %while3A_353 : vector<16xi1>, vector<16xi32>
          scf.yield %select_n3A_383, %select_n3A_384 : vector<16xf32>, vector<16xi32>
        }
        %while3A_150 = arith.constant 1 : i32
        %while3A_151:2 = scf.for %while3A_351 = %while3A_147 to %while3A_143 step %while3A_150 iter_args(%while3A_352 = %while3A_149#0, %while3A_353 = %while3A_149#1) -> (vector<16xf32>, vector<16xi32>)  : i32 {
          %mul3A_354 = arith.constant 16 : i32
          %mul3A_355 = arith.muli %while3A_351, %mul3A_354 : i32
          %get3A_356 = arith.index_cast %mul3A_355 : i32 to index
          %get3A_357 = tpu.vector_load %arg8[%get3A_356] {strides = array<i32>} : memref<2048xf32, #tpu.memory_space<vmem>>, vector<16xf32>,
          %get3A_358 = vector.shape_cast %get3A_357 : vector<16xf32> to vector<16xf32>
          %get3A_359 = arith.index_cast %mul3A_355 : i32 to index
          %get3A_360 = tpu.vector_load %arg6[%get3A_359] {strides = array<i32>} : memref<2048xf32, #tpu.memory_space<vmem>>, vector<16xf32>,
          %get3A_361 = vector.shape_cast %get3A_360 : vector<16xf32> to vector<16xf32>
          %div3A_362 = arith.divf %get3A_358, %add3A_132 : vector<16xf32>
          %add3A_363 = arith.addf %get3A_361, %div3A_362 : vector<16xf32>
          %swap3A_364 = arith.index_cast %mul3A_355 : i32 to index
          %swap3A_365 = tpu.vector_load %arg6[%swap3A_364] {strides = array<i32>} : memref<2048xf32, #tpu.memory_space<vmem>>, vector<16xf32>,
          %swap3A_366 = vector.shape_cast %swap3A_365 : vector<16xf32> to vector<16xf32>
          %swap3A_367 = vector.shape_cast %add3A_363 : vector<16xf32> to vector<16xf32>
          tpu.vector_store %arg6[%swap3A_364], %swap3A_367 {strides = array<i32>} : memref<2048xf32, #tpu.memory_space<vmem>>, vector<16xf32>,
          %mul3A_368 = arith.constant 16 : i32
          %mul3A_369 = arith.muli %while3A_351, %mul3A_368 : i32
          %add3A_370 = vector.broadcast %mul3A_369 : i32 to vector<16xi32>
          %add3A_371 = arith.addi %iota3A, %add3A_370 : vector<16xi32>
          %convert_element_type3A_372 = arith.sitofp %add3A_371 : vector<16xi32> to vector<16xf32>
          %sub3A_373 = vector.broadcast %convert_element_type3A_135 : f32 to vector<16xf32>
          %sub3A_374 = arith.subf %sub3A_373, %convert_element_type3A_372 : vector<16xf32>
          %div3A_375 = arith.divf %add3A_363, %sub3A_374 : vector<16xf32>
          %ge3A = arith.constant 41 : i32
          %ge3A_376 = vector.broadcast %ge3A : i32 to vector<16xi32>
          %ge3A_377 = arith.cmpi sge, %add3A_371, %ge3A_376 : vector<16xi32>
          %le3A_378 = vector.broadcast %sub3A_137 : i32 to vector<16xi32>
          %le3A_379 = arith.cmpi sle, %add3A_371, %le3A_378 : vector<16xi32>
          %and3A_380 = arith.andi %ge3A_377, %le3A_379 : vector<16xi1>
          %broadcast_in_dim3A_381 = vector.broadcast %squeeze3A : f32 to vector<16xf32>
          %select_n3A_382 = arith.select %and3A_380, %div3A_375, %broadcast_in_dim3A_381 : vector<16xi1>, vector<16xf32>
          %lt3A = arith.cmpf olt, %select_n3A_382, %while3A_352 : vector<16xf32>
          %select_n3A_383 = arith.select %lt3A, %select_n3A_382, %while3A_352 : vector<16xi1>, vector<16xf32>
          %select_n3A_384 = arith.select %lt3A, %add3A_371, %while3A_353 : vector<16xi1>, vector<16xi32>
          scf.yield %select_n3A_383, %select_n3A_384 : vector<16xf32>, vector<16xi32>
        }
        %slice3A_152 = vector.extract_strided_slice %while3A_151#0 {offsets = [0], sizes = [1], strides = [1]} : vector<16xf32> to vector<1xf32>
        %squeeze3A_153 = vector.extract %slice3A_152[0] : f32 from vector<1xf32>
        %broadcast_in_dim3A_154 = vector.broadcast %squeeze3A_153 : f32 to vector<16xf32>
        %slice3A_155 = vector.extract_strided_slice %while3A_151#0 {offsets = [1], sizes = [1], strides = [1]} : vector<16xf32> to vector<1xf32>
        %squeeze3A_156 = vector.extract %slice3A_155[0] : f32 from vector<1xf32>
        %broadcast_in_dim3A_157 = vector.broadcast %squeeze3A_156 : f32 to vector<16xf32>
        %min3A = arith.minimumf %broadcast_in_dim3A_154, %broadcast_in_dim3A_157 : vector<16xf32>
        %slice3A_158 = vector.extract_strided_slice %while3A_151#0 {offsets = [2], sizes = [1], strides = [1]} : vector<16xf32> to vector<1xf32>
        %squeeze3A_159 = vector.extract %slice3A_158[0] : f32 from vector<1xf32>
        %broadcast_in_dim3A_160 = vector.broadcast %squeeze3A_159 : f32 to vector<16xf32>
        %min3A_161 = arith.minimumf %min3A, %broadcast_in_dim3A_160 : vector<16xf32>
        %slice3A_162 = vector.extract_strided_slice %while3A_151#0 {offsets = [3], sizes = [1], strides = [1]} : vector<16xf32> to vector<1xf32>
        %squeeze3A_163 = vector.extract %slice3A_162[0] : f32 from vector<1xf32>
        %broadcast_in_dim3A_164 = vector.broadcast %squeeze3A_163 : f32 to vector<16xf32>
        %min3A_165 = arith.minimumf %min3A_161, %broadcast_in_dim3A_164 : vector<16xf32>
        %slice3A_166 = vector.extract_strided_slice %while3A_151#0 {offsets = [4], sizes = [1], strides = [1]} : vector<16xf32> to vector<1xf32>
        %squeeze3A_167 = vector.extract %slice3A_166[0] : f32 from vector<1xf32>
        %broadcast_in_dim3A_168 = vector.broadcast %squeeze3A_167 : f32 to vector<16xf32>
        %min3A_169 = arith.minimumf %min3A_165, %broadcast_in_dim3A_168 : vector<16xf32>
        %slice3A_170 = vector.extract_strided_slice %while3A_151#0 {offsets = [5], sizes = [1], strides = [1]} : vector<16xf32> to vector<1xf32>
        %squeeze3A_171 = vector.extract %slice3A_170[0] : f32 from vector<1xf32>
        %broadcast_in_dim3A_172 = vector.broadcast %squeeze3A_171 : f32 to vector<16xf32>
        %min3A_173 = arith.minimumf %min3A_169, %broadcast_in_dim3A_172 : vector<16xf32>
        %slice3A_174 = vector.extract_strided_slice %while3A_151#0 {offsets = [6], sizes = [1], strides = [1]} : vector<16xf32> to vector<1xf32>
        %squeeze3A_175 = vector.extract %slice3A_174[0] : f32 from vector<1xf32>
        %broadcast_in_dim3A_176 = vector.broadcast %squeeze3A_175 : f32 to vector<16xf32>
        %min3A_177 = arith.minimumf %min3A_173, %broadcast_in_dim3A_176 : vector<16xf32>
        %slice3A_178 = vector.extract_strided_slice %while3A_151#0 {offsets = [7], sizes = [1], strides = [1]} : vector<16xf32> to vector<1xf32>
        %squeeze3A_179 = vector.extract %slice3A_178[0] : f32 from vector<1xf32>
        %broadcast_in_dim3A_180 = vector.broadcast %squeeze3A_179 : f32 to vector<16xf32>
        %min3A_181 = arith.minimumf %min3A_177, %broadcast_in_dim3A_180 : vector<16xf32>
        %slice3A_182 = vector.extract_strided_slice %while3A_151#0 {offsets = [8], sizes = [1], strides = [1]} : vector<16xf32> to vector<1xf32>
        %squeeze3A_183 = vector.extract %slice3A_182[0] : f32 from vector<1xf32>
        %broadcast_in_dim3A_184 = vector.broadcast %squeeze3A_183 : f32 to vector<16xf32>
        %min3A_185 = arith.minimumf %min3A_181, %broadcast_in_dim3A_184 : vector<16xf32>
        %slice3A_186 = vector.extract_strided_slice %while3A_151#0 {offsets = [9], sizes = [1], strides = [1]} : vector<16xf32> to vector<1xf32>
        %squeeze3A_187 = vector.extract %slice3A_186[0] : f32 from vector<1xf32>
        %broadcast_in_dim3A_188 = vector.broadcast %squeeze3A_187 : f32 to vector<16xf32>
        %min3A_189 = arith.minimumf %min3A_185, %broadcast_in_dim3A_188 : vector<16xf32>
        %slice3A_190 = vector.extract_strided_slice %while3A_151#0 {offsets = [10], sizes = [1], strides = [1]} : vector<16xf32> to vector<1xf32>
        %squeeze3A_191 = vector.extract %slice3A_190[0] : f32 from vector<1xf32>
        %broadcast_in_dim3A_192 = vector.broadcast %squeeze3A_191 : f32 to vector<16xf32>
        %min3A_193 = arith.minimumf %min3A_189, %broadcast_in_dim3A_192 : vector<16xf32>
        %slice3A_194 = vector.extract_strided_slice %while3A_151#0 {offsets = [11], sizes = [1], strides = [1]} : vector<16xf32> to vector<1xf32>
        %squeeze3A_195 = vector.extract %slice3A_194[0] : f32 from vector<1xf32>
        %broadcast_in_dim3A_196 = vector.broadcast %squeeze3A_195 : f32 to vector<16xf32>
        %min3A_197 = arith.minimumf %min3A_193, %broadcast_in_dim3A_196 : vector<16xf32>
        %slice3A_198 = vector.extract_strided_slice %while3A_151#0 {offsets = [12], sizes = [1], strides = [1]} : vector<16xf32> to vector<1xf32>
        %squeeze3A_199 = vector.extract %slice3A_198[0] : f32 from vector<1xf32>
        %broadcast_in_dim3A_200 = vector.broadcast %squeeze3A_199 : f32 to vector<16xf32>
        %min3A_201 = arith.minimumf %min3A_197, %broadcast_in_dim3A_200 : vector<16xf32>
        %slice3A_202 = vector.extract_strided_slice %while3A_151#0 {offsets = [13], sizes = [1], strides = [1]} : vector<16xf32> to vector<1xf32>
        %squeeze3A_203 = vector.extract %slice3A_202[0] : f32 from vector<1xf32>
        %broadcast_in_dim3A_204 = vector.broadcast %squeeze3A_203 : f32 to vector<16xf32>
        %min3A_205 = arith.minimumf %min3A_201, %broadcast_in_dim3A_204 : vector<16xf32>
        %slice3A_206 = vector.extract_strided_slice %while3A_151#0 {offsets = [14], sizes = [1], strides = [1]} : vector<16xf32> to vector<1xf32>
        %squeeze3A_207 = vector.extract %slice3A_206[0] : f32 from vector<1xf32>
        %broadcast_in_dim3A_208 = vector.broadcast %squeeze3A_207 : f32 to vector<16xf32>
        %min3A_209 = arith.minimumf %min3A_205, %broadcast_in_dim3A_208 : vector<16xf32>
        %slice3A_210 = vector.extract_strided_slice %while3A_151#0 {offsets = [15], sizes = [1], strides = [1]} : vector<16xf32> to vector<1xf32>
        %squeeze3A_211 = vector.extract %slice3A_210[0] : f32 from vector<1xf32>
        %broadcast_in_dim3A_212 = vector.broadcast %squeeze3A_211 : f32 to vector<16xf32>
        %min3A_213 = arith.minimumf %min3A_209, %broadcast_in_dim3A_212 : vector<16xf32>
        %eq3A_214 = arith.cmpf oeq, %while3A_151#0, %min3A_213 : vector<16xf32>
        %jit3A_215 = arith.constant 4096 : i32
        %broadcast_in_dim3A_216 = vector.broadcast %jit3A_215 : i32 to vector<16xi32>
        %select_n3A_217 = arith.select %eq3A_214, %while3A_151#1, %broadcast_in_dim3A_216 : vector<16xi1>, vector<16xi32>
        %slice3A_218 = vector.extract_strided_slice %select_n3A_217 {offsets = [0], sizes = [1], strides = [1]} : vector<16xi32> to vector<1xi32>
        %squeeze3A_219 = vector.extract %slice3A_218[0] : i32 from vector<1xi32>
        %broadcast_in_dim3A_220 = vector.broadcast %squeeze3A_219 : i32 to vector<16xi32>
        %slice3A_221 = vector.extract_strided_slice %select_n3A_217 {offsets = [1], sizes = [1], strides = [1]} : vector<16xi32> to vector<1xi32>
        %squeeze3A_222 = vector.extract %slice3A_221[0] : i32 from vector<1xi32>
        %broadcast_in_dim3A_223 = vector.broadcast %squeeze3A_222 : i32 to vector<16xi32>
        %min3A_224 = arith.minsi %broadcast_in_dim3A_220, %broadcast_in_dim3A_223 : vector<16xi32>
        %slice3A_225 = vector.extract_strided_slice %select_n3A_217 {offsets = [2], sizes = [1], strides = [1]} : vector<16xi32> to vector<1xi32>
        %squeeze3A_226 = vector.extract %slice3A_225[0] : i32 from vector<1xi32>
        %broadcast_in_dim3A_227 = vector.broadcast %squeeze3A_226 : i32 to vector<16xi32>
        %min3A_228 = arith.minsi %min3A_224, %broadcast_in_dim3A_227 : vector<16xi32>
        %slice3A_229 = vector.extract_strided_slice %select_n3A_217 {offsets = [3], sizes = [1], strides = [1]} : vector<16xi32> to vector<1xi32>
        %squeeze3A_230 = vector.extract %slice3A_229[0] : i32 from vector<1xi32>
        %broadcast_in_dim3A_231 = vector.broadcast %squeeze3A_230 : i32 to vector<16xi32>
        %min3A_232 = arith.minsi %min3A_228, %broadcast_in_dim3A_231 : vector<16xi32>
        %slice3A_233 = vector.extract_strided_slice %select_n3A_217 {offsets = [4], sizes = [1], strides = [1]} : vector<16xi32> to vector<1xi32>
        %squeeze3A_234 = vector.extract %slice3A_233[0] : i32 from vector<1xi32>
        %broadcast_in_dim3A_235 = vector.broadcast %squeeze3A_234 : i32 to vector<16xi32>
        %min3A_236 = arith.minsi %min3A_232, %broadcast_in_dim3A_235 : vector<16xi32>
        %slice3A_237 = vector.extract_strided_slice %select_n3A_217 {offsets = [5], sizes = [1], strides = [1]} : vector<16xi32> to vector<1xi32>
        %squeeze3A_238 = vector.extract %slice3A_237[0] : i32 from vector<1xi32>
        %broadcast_in_dim3A_239 = vector.broadcast %squeeze3A_238 : i32 to vector<16xi32>
        %min3A_240 = arith.minsi %min3A_236, %broadcast_in_dim3A_239 : vector<16xi32>
        %slice3A_241 = vector.extract_strided_slice %select_n3A_217 {offsets = [6], sizes = [1], strides = [1]} : vector<16xi32> to vector<1xi32>
        %squeeze3A_242 = vector.extract %slice3A_241[0] : i32 from vector<1xi32>
        %broadcast_in_dim3A_243 = vector.broadcast %squeeze3A_242 : i32 to vector<16xi32>
        %min3A_244 = arith.minsi %min3A_240, %broadcast_in_dim3A_243 : vector<16xi32>
        %slice3A_245 = vector.extract_strided_slice %select_n3A_217 {offsets = [7], sizes = [1], strides = [1]} : vector<16xi32> to vector<1xi32>
        %squeeze3A_246 = vector.extract %slice3A_245[0] : i32 from vector<1xi32>
        %broadcast_in_dim3A_247 = vector.broadcast %squeeze3A_246 : i32 to vector<16xi32>
        %min3A_248 = arith.minsi %min3A_244, %broadcast_in_dim3A_247 : vector<16xi32>
        %slice3A_249 = vector.extract_strided_slice %select_n3A_217 {offsets = [8], sizes = [1], strides = [1]} : vector<16xi32> to vector<1xi32>
        %squeeze3A_250 = vector.extract %slice3A_249[0] : i32 from vector<1xi32>
        %broadcast_in_dim3A_251 = vector.broadcast %squeeze3A_250 : i32 to vector<16xi32>
        %min3A_252 = arith.minsi %min3A_248, %broadcast_in_dim3A_251 : vector<16xi32>
        %slice3A_253 = vector.extract_strided_slice %select_n3A_217 {offsets = [9], sizes = [1], strides = [1]} : vector<16xi32> to vector<1xi32>
        %squeeze3A_254 = vector.extract %slice3A_253[0] : i32 from vector<1xi32>
        %broadcast_in_dim3A_255 = vector.broadcast %squeeze3A_254 : i32 to vector<16xi32>
        %min3A_256 = arith.minsi %min3A_252, %broadcast_in_dim3A_255 : vector<16xi32>
        %slice3A_257 = vector.extract_strided_slice %select_n3A_217 {offsets = [10], sizes = [1], strides = [1]} : vector<16xi32> to vector<1xi32>
        %squeeze3A_258 = vector.extract %slice3A_257[0] : i32 from vector<1xi32>
        %broadcast_in_dim3A_259 = vector.broadcast %squeeze3A_258 : i32 to vector<16xi32>
        %min3A_260 = arith.minsi %min3A_256, %broadcast_in_dim3A_259 : vector<16xi32>
        %slice3A_261 = vector.extract_strided_slice %select_n3A_217 {offsets = [11], sizes = [1], strides = [1]} : vector<16xi32> to vector<1xi32>
        %squeeze3A_262 = vector.extract %slice3A_261[0] : i32 from vector<1xi32>
        %broadcast_in_dim3A_263 = vector.broadcast %squeeze3A_262 : i32 to vector<16xi32>
        %min3A_264 = arith.minsi %min3A_260, %broadcast_in_dim3A_263 : vector<16xi32>
        %slice3A_265 = vector.extract_strided_slice %select_n3A_217 {offsets = [12], sizes = [1], strides = [1]} : vector<16xi32> to vector<1xi32>
        %squeeze3A_266 = vector.extract %slice3A_265[0] : i32 from vector<1xi32>
        %broadcast_in_dim3A_267 = vector.broadcast %squeeze3A_266 : i32 to vector<16xi32>
        %min3A_268 = arith.minsi %min3A_264, %broadcast_in_dim3A_267 : vector<16xi32>
        %slice3A_269 = vector.extract_strided_slice %select_n3A_217 {offsets = [13], sizes = [1], strides = [1]} : vector<16xi32> to vector<1xi32>
        %squeeze3A_270 = vector.extract %slice3A_269[0] : i32 from vector<1xi32>
        %broadcast_in_dim3A_271 = vector.broadcast %squeeze3A_270 : i32 to vector<16xi32>
        %min3A_272 = arith.minsi %min3A_268, %broadcast_in_dim3A_271 : vector<16xi32>
        %slice3A_273 = vector.extract_strided_slice %select_n3A_217 {offsets = [14], sizes = [1], strides = [1]} : vector<16xi32> to vector<1xi32>
        %squeeze3A_274 = vector.extract %slice3A_273[0] : i32 from vector<1xi32>
        %broadcast_in_dim3A_275 = vector.broadcast %squeeze3A_274 : i32 to vector<16xi32>
        %min3A_276 = arith.minsi %min3A_272, %broadcast_in_dim3A_275 : vector<16xi32>
        %slice3A_277 = vector.extract_strided_slice %select_n3A_217 {offsets = [15], sizes = [1], strides = [1]} : vector<16xi32> to vector<1xi32>
        %squeeze3A_278 = vector.extract %slice3A_277[0] : i32 from vector<1xi32>
        %broadcast_in_dim3A_279 = vector.broadcast %squeeze3A_278 : i32 to vector<16xi32>
        %min3A_280 = arith.minsi %min3A_276, %broadcast_in_dim3A_279 : vector<16xi32>
        %swap3A = arith.constant 0 : index
        %swap3A_281 = tpu.vector_load %arg10[%swap3A] {strides = array<i32>} : memref<16xi32, #tpu.memory_space<vmem>>, vector<16xi32>,
        %swap3A_282 = vector.shape_cast %swap3A_281 : vector<16xi32> to vector<16xi32>
        %swap3A_283 = vector.shape_cast %min3A_280 : vector<16xi32> to vector<16xi32>
        tpu.vector_store %arg10[%swap3A], %swap3A_283 {strides = array<i32>} : memref<16xi32, #tpu.memory_space<vmem>>, vector<16xi32>,
        %get3A_284 = arith.constant 0 : index
        %get3A_285 = tpu.vector_load %arg10[%get3A_284] {strides = array<i32>} : memref<16xi32, #tpu.memory_space<vmem>>, vector<16xi32>,
        %get3A_286 = vector.shape_cast %get3A_285 : vector<16xi32> to vector<16xi32>
        %slice3A_287 = vector.extract_strided_slice %get3A_286 {offsets = [0], sizes = [1], strides = [1]} : vector<16xi32> to vector<1xi32>
        %squeeze3A_288 = vector.extract %slice3A_287[0] : i32 from vector<1xi32>
        %jit3A_289 = arith.constant 16 : i32
        %div3A_290 = arith.divsi %squeeze3A_288, %jit3A_289 : i32
        %sign3A_291 = arith.constant 0 : i32
        %sign3A_292 = arith.cmpi sgt, %squeeze3A_288, %sign3A_291 : i32
        %sign3A_293 = arith.extui %sign3A_292 : i1 to i32
        %sign3A_294 = arith.constant 0 : i32
        %sign3A_295 = arith.cmpi slt, %squeeze3A_288, %sign3A_294 : i32
        %sign3A_296 = arith.extui %sign3A_295 : i1 to i32
        %sign3A_297 = arith.subi %sign3A_293, %sign3A_296 : i32
        %sign3A_298 = arith.constant 0 : i32
        %sign3A_299 = arith.cmpi sgt, %jit3A_289, %sign3A_298 : i32
        %sign3A_300 = arith.extui %sign3A_299 : i1 to i32
        %sign3A_301 = arith.constant 0 : i32
        %sign3A_302 = arith.cmpi slt, %jit3A_289, %sign3A_301 : i32
        %sign3A_303 = arith.extui %sign3A_302 : i1 to i32
        %sign3A_304 = arith.subi %sign3A_300, %sign3A_303 : i32
        %ne3A_305 = arith.cmpi ne, %sign3A_297, %sign3A_304 : i32
        %rem3A_306 = arith.remsi %squeeze3A_288, %jit3A_289 : i32
        %ne3A_307 = arith.constant 0 : i32
        %ne3A_308 = arith.cmpi ne, %rem3A_306, %ne3A_307 : i32
        %and3A_309 = arith.andi %ne3A_305, %ne3A_308 : i1
        %sub3A_310 = arith.constant 1 : i32
        %sub3A_311 = arith.subi %div3A_290, %sub3A_310 : i32
        %select_n3A_312 = arith.select %and3A_309, %sub3A_311, %div3A_290 : i32
        %mul3A_313 = arith.constant 16 : i32
        %mul3A_314 = arith.muli %select_n3A_312, %mul3A_313 : i32
        %multiple_of3A = tpu.assume_multiple %mul3A_314, 16 : i32
        %add3A_315 = vector.broadcast %multiple_of3A : i32 to vector<16xi32>
        %add3A_316 = arith.addi %iota3A, %add3A_315 : vector<16xi32>
        %eq3A_317 = arith.cmpi eq, %add3A_316, %min3A_280 : vector<16xi32>
        %get3A_318 = arith.index_cast %multiple_of3A : i32 to index
        %get3A_319 = tpu.vector_load %arg6[%get3A_318] {strides = array<i32>} : memref<2048xf32, #tpu.memory_space<vmem>>, vector<16xf32>,
        %get3A_320 = vector.shape_cast %get3A_319 : vector<16xf32> to vector<16xf32>
        %broadcast_in_dim3A_321 = vector.broadcast %squeeze3A : f32 to vector<16xf32>
        %select_n3A_322 = arith.select %eq3A_317, %broadcast_in_dim3A_321, %get3A_320 : vector<16xi1>, vector<16xf32>
        %swap3A_323 = arith.index_cast %multiple_of3A : i32 to index
        %swap3A_324 = tpu.vector_load %arg6[%swap3A_323] {strides = array<i32>} : memref<2048xf32, #tpu.memory_space<vmem>>, vector<16xf32>,
        %swap3A_325 = vector.shape_cast %swap3A_324 : vector<16xf32> to vector<16xf32>
        %swap3A_326 = vector.shape_cast %select_n3A_322 : vector<16xf32> to vector<16xf32>
        tpu.vector_store %arg6[%swap3A_323], %swap3A_326 {strides = array<i32>} : memref<2048xf32, #tpu.memory_space<vmem>>, vector<16xf32>,
        %get3A_327 = arith.index_cast %multiple_of3A : i32 to index
        %get3A_328 = tpu.vector_load %arg7[%get3A_327] {strides = array<i32>} : memref<2048xi32, #tpu.memory_space<vmem>>, vector<16xi32>,
        %get3A_329 = vector.shape_cast %get3A_328 : vector<16xi32> to vector<16xi32>
        %broadcast_in_dim3A_330 = vector.broadcast %add3A_29 : i32 to vector<16xi32>
        %select_n3A_331 = arith.select %eq3A_317, %broadcast_in_dim3A_330, %get3A_329 : vector<16xi1>, vector<16xi32>
        %swap3A_332 = arith.index_cast %multiple_of3A : i32 to index
        %swap3A_333 = tpu.vector_load %arg7[%swap3A_332] {strides = array<i32>} : memref<2048xi32, #tpu.memory_space<vmem>>, vector<16xi32>,
        %swap3A_334 = vector.shape_cast %swap3A_333 : vector<16xi32> to vector<16xi32>
        %swap3A_335 = vector.shape_cast %select_n3A_331 : vector<16xi32> to vector<16xi32>
        tpu.vector_store %arg7[%swap3A_332], %swap3A_335 {strides = array<i32>} : memref<2048xi32, #tpu.memory_space<vmem>>, vector<16xi32>,
        %add3A_336 = arith.constant 2 : i32
        %add3A_337 = arith.addi %add3A_29, %add3A_336 : i32
        %le3A_338 = arith.constant 2046 : i32
        %le3A_339 = arith.cmpi sle, %add3A_337, %le3A_338 : i32
        %convert_element_type3A_340 = arith.extui %le3A_339 : i1 to i32
        %cond3A_341 = arith.constant 0 : i32
        %cond3A_342 = arith.cmpi ne, %convert_element_type3A_340, %cond3A_341 : i32
        scf.if %cond3A_342 {
          %add3A_351 = arith.constant 2 : i32
          %add3A_352 = arith.addi %add3A_29, %add3A_351 : i32
          %dma_start3A_353 = arith.constant 0 : i32
          %dma_start3A_354 = tpu.memref_slice %arg2[%arg1, %add3A_352, %dma_start3A_353] : memref<16x2048x2048xf32, #tpu.memory_space<hbm>> -> memref<1x1x2048xf32, #tpu.memory_space<hbm>>
          %dma_start3A_355 = tpu.memref_squeeze %dma_start3A_354 : memref<1x1x2048xf32, #tpu.memory_space<hbm>> -> memref<2048xf32, #tpu.memory_space<hbm>>
          %dma_start3A_356 = arith.constant 0 : i32
          %dma_start3A_357 = tpu.memref_slice %arg2[%arg1, %add3A_352, %dma_start3A_356] : memref<16x2048x2048xf32, #tpu.memory_space<hbm>> -> memref<1x1x2048xf32, #tpu.memory_space<hbm>>
          %dma_start3A_358 = tpu.memref_squeeze %dma_start3A_357 : memref<1x1x2048xf32, #tpu.memory_space<hbm>> -> memref<2048xf32, #tpu.memory_space<hbm>>
          tpu.enqueue_dma source(%dma_start3A_358 : memref<2048xf32, #tpu.memory_space<hbm>>) target(%arg8 : memref<2048xf32, #tpu.memory_space<vmem>>) target_semaphore(%arg11 : memref<!tpu.dma_semaphore, #tpu.memory_space<semaphore_mem>>)
        } else {
        }
        %add3A_343 = arith.constant 1 : i32
        %add3A_344 = arith.addi %add3A_29, %add3A_343 : i32
        %le3A_345 = arith.constant 2046 : i32
        %le3A_346 = arith.cmpi sle, %add3A_344, %le3A_345 : i32
        %convert_element_type3A_347 = arith.extui %le3A_346 : i1 to i32
        %cond3A_348 = arith.constant 0 : i32
        %cond3A_349 = arith.cmpi ne, %convert_element_type3A_347, %cond3A_348 : i32
        scf.if %cond3A_349 {
          %add3A_351 = arith.constant 1 : i32
          %add3A_352 = arith.addi %add3A_29, %add3A_351 : i32
          %dma_wait3A_353 = arith.constant 0 : i32
          %dma_wait3A_354 = tpu.memref_slice %arg2[%arg1, %add3A_352, %dma_wait3A_353] : memref<16x2048x2048xf32, #tpu.memory_space<hbm>> -> memref<1x1x2048xf32, #tpu.memory_space<hbm>>
          %dma_wait3A_355 = tpu.memref_squeeze %dma_wait3A_354 : memref<1x1x2048xf32, #tpu.memory_space<hbm>> -> memref<2048xf32, #tpu.memory_space<hbm>>
          %dma_wait3A_356 = arith.constant 0 : i32
          %dma_wait3A_357 = tpu.memref_slice %arg2[%arg1, %add3A_352, %dma_wait3A_356] : memref<16x2048x2048xf32, #tpu.memory_space<hbm>> -> memref<1x1x2048xf32, #tpu.memory_space<hbm>>
          %dma_wait3A_358 = tpu.memref_squeeze %dma_wait3A_357 : memref<1x1x2048xf32, #tpu.memory_space<hbm>> -> memref<2048xf32, #tpu.memory_space<hbm>>
          tpu.wait_dma2 semaphore(%arg12 : memref<!tpu.dma_semaphore, #tpu.memory_space<semaphore_mem>>) src(%dma_wait3A_358 : memref<2048xf32, #tpu.memory_space<hbm>>) dst(%arg9 : memref<2048xf32, #tpu.memory_space<vmem>>)
          %add3A_359 = arith.constant 1 : i32
          %add3A_360 = arith.addi %add3A_29, %add3A_359 : i32
          %jit3A_361 = arith.constant 16 : i32
          %div3A_362 = arith.divsi %add3A_360, %jit3A_361 : i32
          %sign3A_363 = arith.constant 0 : i32
          %sign3A_364 = arith.cmpi sgt, %add3A_360, %sign3A_363 : i32
          %sign3A_365 = arith.extui %sign3A_364 : i1 to i32
          %sign3A_366 = arith.constant 0 : i32
          %sign3A_367 = arith.cmpi slt, %add3A_360, %sign3A_366 : i32
          %sign3A_368 = arith.extui %sign3A_367 : i1 to i32
          %sign3A_369 = arith.subi %sign3A_365, %sign3A_368 : i32
          %sign3A_370 = arith.constant 0 : i32
          %sign3A_371 = arith.cmpi sgt, %jit3A_361, %sign3A_370 : i32
          %sign3A_372 = arith.extui %sign3A_371 : i1 to i32
          %sign3A_373 = arith.constant 0 : i32
          %sign3A_374 = arith.cmpi slt, %jit3A_361, %sign3A_373 : i32
          %sign3A_375 = arith.extui %sign3A_374 : i1 to i32
          %sign3A_376 = arith.subi %sign3A_372, %sign3A_375 : i32
          %ne3A_377 = arith.cmpi ne, %sign3A_369, %sign3A_376 : i32
          %rem3A_378 = arith.remsi %add3A_360, %jit3A_361 : i32
          %ne3A_379 = arith.constant 0 : i32
          %ne3A_380 = arith.cmpi ne, %rem3A_378, %ne3A_379 : i32
          %and3A_381 = arith.andi %ne3A_377, %ne3A_380 : i1
          %sub3A_382 = arith.constant 1 : i32
          %sub3A_383 = arith.subi %div3A_362, %sub3A_382 : i32
          %select_n3A_384 = arith.select %and3A_381, %sub3A_383, %div3A_362 : i32
          %add3A_385 = arith.constant 1 : i32
          %add3A_386 = arith.addi %select_n3A_384, %add3A_385 : i32
          %broadcast_in_dim3A_387 = arith.constant 0.000000e+00 : f32
          %broadcast_in_dim3A_388 = vector.broadcast %broadcast_in_dim3A_387 : f32 to vector<16xf32>
          %while3A_389 = arith.constant 0 : i32
          %while3A_390 = arith.subi %add3A_386, %while3A_389 : i32
          %while3A_391 = arith.addi %while3A_389, %while3A_390 : i32
          %while3A_392 = arith.constant 1 : i32
          %while3A_393 = arith.divsi %while3A_390, %while3A_392 : i32
          %while3A_394 = arith.muli %while3A_393, %while3A_392 : i32
          %while3A_395 = arith.addi %while3A_389, %while3A_394 : i32
          %while3A_396 = arith.constant 1 : i32
          %while3A_397 = scf.for %while3A_669 = %while3A_389 to %while3A_395 step %while3A_396 iter_args(%while3A_670 = %broadcast_in_dim3A_388) -> (vector<16xf32>)  : i32 {
            %mul3A_671 = arith.constant 16 : i32
            %mul3A_672 = arith.muli %while3A_669, %mul3A_671 : i32
            %get3A_673 = arith.index_cast %mul3A_672 : i32 to index
            %get3A_674 = tpu.vector_load %arg9[%get3A_673] {strides = array<i32>} : memref<2048xf32, #tpu.memory_space<vmem>>, vector<16xf32>,
            %get3A_675 = vector.shape_cast %get3A_674 : vector<16xf32> to vector<16xf32>
            %get3A_676 = arith.index_cast %mul3A_672 : i32 to index
            %get3A_677 = tpu.vector_load %arg6[%get3A_676] {strides = array<i32>} : memref<2048xf32, #tpu.memory_space<vmem>>, vector<16xf32>,
            %get3A_678 = vector.shape_cast %get3A_677 : vector<16xf32> to vector<16xf32>
            %lt3A = vector.broadcast %squeeze3A : f32 to vector<16xf32>
            %lt3A_679 = arith.cmpf olt, %get3A_678, %lt3A : vector<16xf32>
            %jit3A_680 = arith.constant 0.000000e+00 : f32
            %broadcast_in_dim3A_681 = vector.broadcast %jit3A_680 : f32 to vector<16xf32>
            %select_n3A_682 = arith.select %lt3A_679, %get3A_675, %broadcast_in_dim3A_681 : vector<16xi1>, vector<16xf32>
            %add3A_683 = arith.addf %while3A_670, %select_n3A_682 : vector<16xf32>
            scf.yield %add3A_683 : vector<16xf32>
          }
          %while3A_398 = arith.constant 1 : i32
          %while3A_399 = scf.for %while3A_669 = %while3A_395 to %while3A_391 step %while3A_398 iter_args(%while3A_670 = %while3A_397) -> (vector<16xf32>)  : i32 {
            %mul3A_671 = arith.constant 16 : i32
            %mul3A_672 = arith.muli %while3A_669, %mul3A_671 : i32
            %get3A_673 = arith.index_cast %mul3A_672 : i32 to index
            %get3A_674 = tpu.vector_load %arg9[%get3A_673] {strides = array<i32>} : memref<2048xf32, #tpu.memory_space<vmem>>, vector<16xf32>,
            %get3A_675 = vector.shape_cast %get3A_674 : vector<16xf32> to vector<16xf32>
            %get3A_676 = arith.index_cast %mul3A_672 : i32 to index
            %get3A_677 = tpu.vector_load %arg6[%get3A_676] {strides = array<i32>} : memref<2048xf32, #tpu.memory_space<vmem>>, vector<16xf32>,
            %get3A_678 = vector.shape_cast %get3A_677 : vector<16xf32> to vector<16xf32>
            %lt3A = vector.broadcast %squeeze3A : f32 to vector<16xf32>
            %lt3A_679 = arith.cmpf olt, %get3A_678, %lt3A : vector<16xf32>
            %jit3A_680 = arith.constant 0.000000e+00 : f32
            %broadcast_in_dim3A_681 = vector.broadcast %jit3A_680 : f32 to vector<16xf32>
            %select_n3A_682 = arith.select %lt3A_679, %get3A_675, %broadcast_in_dim3A_681 : vector<16xi1>, vector<16xf32>
            %add3A_683 = arith.addf %while3A_670, %select_n3A_682 : vector<16xf32>
            scf.yield %add3A_683 : vector<16xf32>
          }
          %slice3A_400 = vector.extract_strided_slice %while3A_399 {offsets = [0], sizes = [1], strides = [1]} : vector<16xf32> to vector<1xf32>
          %squeeze3A_401 = vector.extract %slice3A_400[0] : f32 from vector<1xf32>
          %broadcast_in_dim3A_402 = vector.broadcast %squeeze3A_401 : f32 to vector<16xf32>
          %slice3A_403 = vector.extract_strided_slice %while3A_399 {offsets = [1], sizes = [1], strides = [1]} : vector<16xf32> to vector<1xf32>
          %squeeze3A_404 = vector.extract %slice3A_403[0] : f32 from vector<1xf32>
          %broadcast_in_dim3A_405 = vector.broadcast %squeeze3A_404 : f32 to vector<16xf32>
          %add3A_406 = arith.addf %broadcast_in_dim3A_402, %broadcast_in_dim3A_405 : vector<16xf32>
          %slice3A_407 = vector.extract_strided_slice %while3A_399 {offsets = [2], sizes = [1], strides = [1]} : vector<16xf32> to vector<1xf32>
          %squeeze3A_408 = vector.extract %slice3A_407[0] : f32 from vector<1xf32>
          %broadcast_in_dim3A_409 = vector.broadcast %squeeze3A_408 : f32 to vector<16xf32>
          %add3A_410 = arith.addf %add3A_406, %broadcast_in_dim3A_409 : vector<16xf32>
          %slice3A_411 = vector.extract_strided_slice %while3A_399 {offsets = [3], sizes = [1], strides = [1]} : vector<16xf32> to vector<1xf32>
          %squeeze3A_412 = vector.extract %slice3A_411[0] : f32 from vector<1xf32>
          %broadcast_in_dim3A_413 = vector.broadcast %squeeze3A_412 : f32 to vector<16xf32>
          %add3A_414 = arith.addf %add3A_410, %broadcast_in_dim3A_413 : vector<16xf32>
          %slice3A_415 = vector.extract_strided_slice %while3A_399 {offsets = [4], sizes = [1], strides = [1]} : vector<16xf32> to vector<1xf32>
          %squeeze3A_416 = vector.extract %slice3A_415[0] : f32 from vector<1xf32>
          %broadcast_in_dim3A_417 = vector.broadcast %squeeze3A_416 : f32 to vector<16xf32>
          %add3A_418 = arith.addf %add3A_414, %broadcast_in_dim3A_417 : vector<16xf32>
          %slice3A_419 = vector.extract_strided_slice %while3A_399 {offsets = [5], sizes = [1], strides = [1]} : vector<16xf32> to vector<1xf32>
          %squeeze3A_420 = vector.extract %slice3A_419[0] : f32 from vector<1xf32>
          %broadcast_in_dim3A_421 = vector.broadcast %squeeze3A_420 : f32 to vector<16xf32>
          %add3A_422 = arith.addf %add3A_418, %broadcast_in_dim3A_421 : vector<16xf32>
          %slice3A_423 = vector.extract_strided_slice %while3A_399 {offsets = [6], sizes = [1], strides = [1]} : vector<16xf32> to vector<1xf32>
          %squeeze3A_424 = vector.extract %slice3A_423[0] : f32 from vector<1xf32>
          %broadcast_in_dim3A_425 = vector.broadcast %squeeze3A_424 : f32 to vector<16xf32>
          %add3A_426 = arith.addf %add3A_422, %broadcast_in_dim3A_425 : vector<16xf32>
          %slice3A_427 = vector.extract_strided_slice %while3A_399 {offsets = [7], sizes = [1], strides = [1]} : vector<16xf32> to vector<1xf32>
          %squeeze3A_428 = vector.extract %slice3A_427[0] : f32 from vector<1xf32>
          %broadcast_in_dim3A_429 = vector.broadcast %squeeze3A_428 : f32 to vector<16xf32>
          %add3A_430 = arith.addf %add3A_426, %broadcast_in_dim3A_429 : vector<16xf32>
          %slice3A_431 = vector.extract_strided_slice %while3A_399 {offsets = [8], sizes = [1], strides = [1]} : vector<16xf32> to vector<1xf32>
          %squeeze3A_432 = vector.extract %slice3A_431[0] : f32 from vector<1xf32>
          %broadcast_in_dim3A_433 = vector.broadcast %squeeze3A_432 : f32 to vector<16xf32>
          %add3A_434 = arith.addf %add3A_430, %broadcast_in_dim3A_433 : vector<16xf32>
          %slice3A_435 = vector.extract_strided_slice %while3A_399 {offsets = [9], sizes = [1], strides = [1]} : vector<16xf32> to vector<1xf32>
          %squeeze3A_436 = vector.extract %slice3A_435[0] : f32 from vector<1xf32>
          %broadcast_in_dim3A_437 = vector.broadcast %squeeze3A_436 : f32 to vector<16xf32>
          %add3A_438 = arith.addf %add3A_434, %broadcast_in_dim3A_437 : vector<16xf32>
          %slice3A_439 = vector.extract_strided_slice %while3A_399 {offsets = [10], sizes = [1], strides = [1]} : vector<16xf32> to vector<1xf32>
          %squeeze3A_440 = vector.extract %slice3A_439[0] : f32 from vector<1xf32>
          %broadcast_in_dim3A_441 = vector.broadcast %squeeze3A_440 : f32 to vector<16xf32>
          %add3A_442 = arith.addf %add3A_438, %broadcast_in_dim3A_441 : vector<16xf32>
          %slice3A_443 = vector.extract_strided_slice %while3A_399 {offsets = [11], sizes = [1], strides = [1]} : vector<16xf32> to vector<1xf32>
          %squeeze3A_444 = vector.extract %slice3A_443[0] : f32 from vector<1xf32>
          %broadcast_in_dim3A_445 = vector.broadcast %squeeze3A_444 : f32 to vector<16xf32>
          %add3A_446 = arith.addf %add3A_442, %broadcast_in_dim3A_445 : vector<16xf32>
          %slice3A_447 = vector.extract_strided_slice %while3A_399 {offsets = [12], sizes = [1], strides = [1]} : vector<16xf32> to vector<1xf32>
          %squeeze3A_448 = vector.extract %slice3A_447[0] : f32 from vector<1xf32>
          %broadcast_in_dim3A_449 = vector.broadcast %squeeze3A_448 : f32 to vector<16xf32>
          %add3A_450 = arith.addf %add3A_446, %broadcast_in_dim3A_449 : vector<16xf32>
          %slice3A_451 = vector.extract_strided_slice %while3A_399 {offsets = [13], sizes = [1], strides = [1]} : vector<16xf32> to vector<1xf32>
          %squeeze3A_452 = vector.extract %slice3A_451[0] : f32 from vector<1xf32>
          %broadcast_in_dim3A_453 = vector.broadcast %squeeze3A_452 : f32 to vector<16xf32>
          %add3A_454 = arith.addf %add3A_450, %broadcast_in_dim3A_453 : vector<16xf32>
          %slice3A_455 = vector.extract_strided_slice %while3A_399 {offsets = [14], sizes = [1], strides = [1]} : vector<16xf32> to vector<1xf32>
          %squeeze3A_456 = vector.extract %slice3A_455[0] : f32 from vector<1xf32>
          %broadcast_in_dim3A_457 = vector.broadcast %squeeze3A_456 : f32 to vector<16xf32>
          %add3A_458 = arith.addf %add3A_454, %broadcast_in_dim3A_457 : vector<16xf32>
          %slice3A_459 = vector.extract_strided_slice %while3A_399 {offsets = [15], sizes = [1], strides = [1]} : vector<16xf32> to vector<1xf32>
          %squeeze3A_460 = vector.extract %slice3A_459[0] : f32 from vector<1xf32>
          %broadcast_in_dim3A_461 = vector.broadcast %squeeze3A_460 : f32 to vector<16xf32>
          %add3A_462 = arith.addf %add3A_458, %broadcast_in_dim3A_461 : vector<16xf32>
          %add3A_463 = arith.constant 1 : i32
          %add3A_464 = arith.addi %add3A_360, %add3A_463 : i32
          %convert_element_type3A_465 = arith.sitofp %add3A_464 : i32 to f32
          %sub3A_466 = arith.constant 246 : i32
          %sub3A_467 = arith.subi %add3A_360, %sub3A_466 : i32
          %broadcast_in_dim3A_468 = vector.broadcast %squeeze3A : f32 to vector<16xf32>
          %broadcast_in_dim3A_469 = arith.constant 4096 : i32
          %broadcast_in_dim3A_470 = vector.broadcast %broadcast_in_dim3A_469 : i32 to vector<16xi32>
          %while3A_471 = arith.constant 0 : i32
          %while3A_472 = arith.subi %add3A_386, %while3A_471 : i32
          %while3A_473 = arith.addi %while3A_471, %while3A_472 : i32
          %while3A_474 = arith.constant 1 : i32
          %while3A_475 = arith.divsi %while3A_472, %while3A_474 : i32
          %while3A_476 = arith.muli %while3A_475, %while3A_474 : i32
          %while3A_477 = arith.addi %while3A_471, %while3A_476 : i32
          %while3A_478 = arith.constant 1 : i32
          %while3A_479:2 = scf.for %while3A_669 = %while3A_471 to %while3A_477 step %while3A_478 iter_args(%while3A_670 = %broadcast_in_dim3A_468, %while3A_671 = %broadcast_in_dim3A_470) -> (vector<16xf32>, vector<16xi32>)  : i32 {
            %mul3A_672 = arith.constant 16 : i32
            %mul3A_673 = arith.muli %while3A_669, %mul3A_672 : i32
            %get3A_674 = arith.index_cast %mul3A_673 : i32 to index
            %get3A_675 = tpu.vector_load %arg9[%get3A_674] {strides = array<i32>} : memref<2048xf32, #tpu.memory_space<vmem>>, vector<16xf32>,
            %get3A_676 = vector.shape_cast %get3A_675 : vector<16xf32> to vector<16xf32>
            %get3A_677 = arith.index_cast %mul3A_673 : i32 to index
            %get3A_678 = tpu.vector_load %arg6[%get3A_677] {strides = array<i32>} : memref<2048xf32, #tpu.memory_space<vmem>>, vector<16xf32>,
            %get3A_679 = vector.shape_cast %get3A_678 : vector<16xf32> to vector<16xf32>
            %div3A_680 = arith.divf %get3A_676, %add3A_462 : vector<16xf32>
            %add3A_681 = arith.addf %get3A_679, %div3A_680 : vector<16xf32>
            %swap3A_682 = arith.index_cast %mul3A_673 : i32 to index
            %swap3A_683 = tpu.vector_load %arg6[%swap3A_682] {strides = array<i32>} : memref<2048xf32, #tpu.memory_space<vmem>>, vector<16xf32>,
            %swap3A_684 = vector.shape_cast %swap3A_683 : vector<16xf32> to vector<16xf32>
            %swap3A_685 = vector.shape_cast %add3A_681 : vector<16xf32> to vector<16xf32>
            tpu.vector_store %arg6[%swap3A_682], %swap3A_685 {strides = array<i32>} : memref<2048xf32, #tpu.memory_space<vmem>>, vector<16xf32>,
            %mul3A_686 = arith.constant 16 : i32
            %mul3A_687 = arith.muli %while3A_669, %mul3A_686 : i32
            %add3A_688 = vector.broadcast %mul3A_687 : i32 to vector<16xi32>
            %add3A_689 = arith.addi %iota3A, %add3A_688 : vector<16xi32>
            %convert_element_type3A_690 = arith.sitofp %add3A_689 : vector<16xi32> to vector<16xf32>
            %sub3A_691 = vector.broadcast %convert_element_type3A_465 : f32 to vector<16xf32>
            %sub3A_692 = arith.subf %sub3A_691, %convert_element_type3A_690 : vector<16xf32>
            %div3A_693 = arith.divf %add3A_681, %sub3A_692 : vector<16xf32>
            %ge3A = arith.constant 41 : i32
            %ge3A_694 = vector.broadcast %ge3A : i32 to vector<16xi32>
            %ge3A_695 = arith.cmpi sge, %add3A_689, %ge3A_694 : vector<16xi32>
            %le3A_696 = vector.broadcast %sub3A_467 : i32 to vector<16xi32>
            %le3A_697 = arith.cmpi sle, %add3A_689, %le3A_696 : vector<16xi32>
            %and3A_698 = arith.andi %ge3A_695, %le3A_697 : vector<16xi1>
            %broadcast_in_dim3A_699 = vector.broadcast %squeeze3A : f32 to vector<16xf32>
            %select_n3A_700 = arith.select %and3A_698, %div3A_693, %broadcast_in_dim3A_699 : vector<16xi1>, vector<16xf32>
            %lt3A = arith.cmpf olt, %select_n3A_700, %while3A_670 : vector<16xf32>
            %select_n3A_701 = arith.select %lt3A, %select_n3A_700, %while3A_670 : vector<16xi1>, vector<16xf32>
            %select_n3A_702 = arith.select %lt3A, %add3A_689, %while3A_671 : vector<16xi1>, vector<16xi32>
            scf.yield %select_n3A_701, %select_n3A_702 : vector<16xf32>, vector<16xi32>
          }
          %while3A_480 = arith.constant 1 : i32
          %while3A_481:2 = scf.for %while3A_669 = %while3A_477 to %while3A_473 step %while3A_480 iter_args(%while3A_670 = %while3A_479#0, %while3A_671 = %while3A_479#1) -> (vector<16xf32>, vector<16xi32>)  : i32 {
            %mul3A_672 = arith.constant 16 : i32
            %mul3A_673 = arith.muli %while3A_669, %mul3A_672 : i32
            %get3A_674 = arith.index_cast %mul3A_673 : i32 to index
            %get3A_675 = tpu.vector_load %arg9[%get3A_674] {strides = array<i32>} : memref<2048xf32, #tpu.memory_space<vmem>>, vector<16xf32>,
            %get3A_676 = vector.shape_cast %get3A_675 : vector<16xf32> to vector<16xf32>
            %get3A_677 = arith.index_cast %mul3A_673 : i32 to index
            %get3A_678 = tpu.vector_load %arg6[%get3A_677] {strides = array<i32>} : memref<2048xf32, #tpu.memory_space<vmem>>, vector<16xf32>,
            %get3A_679 = vector.shape_cast %get3A_678 : vector<16xf32> to vector<16xf32>
            %div3A_680 = arith.divf %get3A_676, %add3A_462 : vector<16xf32>
            %add3A_681 = arith.addf %get3A_679, %div3A_680 : vector<16xf32>
            %swap3A_682 = arith.index_cast %mul3A_673 : i32 to index
            %swap3A_683 = tpu.vector_load %arg6[%swap3A_682] {strides = array<i32>} : memref<2048xf32, #tpu.memory_space<vmem>>, vector<16xf32>,
            %swap3A_684 = vector.shape_cast %swap3A_683 : vector<16xf32> to vector<16xf32>
            %swap3A_685 = vector.shape_cast %add3A_681 : vector<16xf32> to vector<16xf32>
            tpu.vector_store %arg6[%swap3A_682], %swap3A_685 {strides = array<i32>} : memref<2048xf32, #tpu.memory_space<vmem>>, vector<16xf32>,
            %mul3A_686 = arith.constant 16 : i32
            %mul3A_687 = arith.muli %while3A_669, %mul3A_686 : i32
            %add3A_688 = vector.broadcast %mul3A_687 : i32 to vector<16xi32>
            %add3A_689 = arith.addi %iota3A, %add3A_688 : vector<16xi32>
            %convert_element_type3A_690 = arith.sitofp %add3A_689 : vector<16xi32> to vector<16xf32>
            %sub3A_691 = vector.broadcast %convert_element_type3A_465 : f32 to vector<16xf32>
            %sub3A_692 = arith.subf %sub3A_691, %convert_element_type3A_690 : vector<16xf32>
            %div3A_693 = arith.divf %add3A_681, %sub3A_692 : vector<16xf32>
            %ge3A = arith.constant 41 : i32
            %ge3A_694 = vector.broadcast %ge3A : i32 to vector<16xi32>
            %ge3A_695 = arith.cmpi sge, %add3A_689, %ge3A_694 : vector<16xi32>
            %le3A_696 = vector.broadcast %sub3A_467 : i32 to vector<16xi32>
            %le3A_697 = arith.cmpi sle, %add3A_689, %le3A_696 : vector<16xi32>
            %and3A_698 = arith.andi %ge3A_695, %le3A_697 : vector<16xi1>
            %broadcast_in_dim3A_699 = vector.broadcast %squeeze3A : f32 to vector<16xf32>
            %select_n3A_700 = arith.select %and3A_698, %div3A_693, %broadcast_in_dim3A_699 : vector<16xi1>, vector<16xf32>
            %lt3A = arith.cmpf olt, %select_n3A_700, %while3A_670 : vector<16xf32>
            %select_n3A_701 = arith.select %lt3A, %select_n3A_700, %while3A_670 : vector<16xi1>, vector<16xf32>
            %select_n3A_702 = arith.select %lt3A, %add3A_689, %while3A_671 : vector<16xi1>, vector<16xi32>
            scf.yield %select_n3A_701, %select_n3A_702 : vector<16xf32>, vector<16xi32>
          }
          %slice3A_482 = vector.extract_strided_slice %while3A_481#0 {offsets = [0], sizes = [1], strides = [1]} : vector<16xf32> to vector<1xf32>
          %squeeze3A_483 = vector.extract %slice3A_482[0] : f32 from vector<1xf32>
          %broadcast_in_dim3A_484 = vector.broadcast %squeeze3A_483 : f32 to vector<16xf32>
          %slice3A_485 = vector.extract_strided_slice %while3A_481#0 {offsets = [1], sizes = [1], strides = [1]} : vector<16xf32> to vector<1xf32>
          %squeeze3A_486 = vector.extract %slice3A_485[0] : f32 from vector<1xf32>
          %broadcast_in_dim3A_487 = vector.broadcast %squeeze3A_486 : f32 to vector<16xf32>
          %min3A_488 = arith.minimumf %broadcast_in_dim3A_484, %broadcast_in_dim3A_487 : vector<16xf32>
          %slice3A_489 = vector.extract_strided_slice %while3A_481#0 {offsets = [2], sizes = [1], strides = [1]} : vector<16xf32> to vector<1xf32>
          %squeeze3A_490 = vector.extract %slice3A_489[0] : f32 from vector<1xf32>
          %broadcast_in_dim3A_491 = vector.broadcast %squeeze3A_490 : f32 to vector<16xf32>
          %min3A_492 = arith.minimumf %min3A_488, %broadcast_in_dim3A_491 : vector<16xf32>
          %slice3A_493 = vector.extract_strided_slice %while3A_481#0 {offsets = [3], sizes = [1], strides = [1]} : vector<16xf32> to vector<1xf32>
          %squeeze3A_494 = vector.extract %slice3A_493[0] : f32 from vector<1xf32>
          %broadcast_in_dim3A_495 = vector.broadcast %squeeze3A_494 : f32 to vector<16xf32>
          %min3A_496 = arith.minimumf %min3A_492, %broadcast_in_dim3A_495 : vector<16xf32>
          %slice3A_497 = vector.extract_strided_slice %while3A_481#0 {offsets = [4], sizes = [1], strides = [1]} : vector<16xf32> to vector<1xf32>
          %squeeze3A_498 = vector.extract %slice3A_497[0] : f32 from vector<1xf32>
          %broadcast_in_dim3A_499 = vector.broadcast %squeeze3A_498 : f32 to vector<16xf32>
          %min3A_500 = arith.minimumf %min3A_496, %broadcast_in_dim3A_499 : vector<16xf32>
          %slice3A_501 = vector.extract_strided_slice %while3A_481#0 {offsets = [5], sizes = [1], strides = [1]} : vector<16xf32> to vector<1xf32>
          %squeeze3A_502 = vector.extract %slice3A_501[0] : f32 from vector<1xf32>
          %broadcast_in_dim3A_503 = vector.broadcast %squeeze3A_502 : f32 to vector<16xf32>
          %min3A_504 = arith.minimumf %min3A_500, %broadcast_in_dim3A_503 : vector<16xf32>
          %slice3A_505 = vector.extract_strided_slice %while3A_481#0 {offsets = [6], sizes = [1], strides = [1]} : vector<16xf32> to vector<1xf32>
          %squeeze3A_506 = vector.extract %slice3A_505[0] : f32 from vector<1xf32>
          %broadcast_in_dim3A_507 = vector.broadcast %squeeze3A_506 : f32 to vector<16xf32>
          %min3A_508 = arith.minimumf %min3A_504, %broadcast_in_dim3A_507 : vector<16xf32>
          %slice3A_509 = vector.extract_strided_slice %while3A_481#0 {offsets = [7], sizes = [1], strides = [1]} : vector<16xf32> to vector<1xf32>
          %squeeze3A_510 = vector.extract %slice3A_509[0] : f32 from vector<1xf32>
          %broadcast_in_dim3A_511 = vector.broadcast %squeeze3A_510 : f32 to vector<16xf32>
          %min3A_512 = arith.minimumf %min3A_508, %broadcast_in_dim3A_511 : vector<16xf32>
          %slice3A_513 = vector.extract_strided_slice %while3A_481#0 {offsets = [8], sizes = [1], strides = [1]} : vector<16xf32> to vector<1xf32>
          %squeeze3A_514 = vector.extract %slice3A_513[0] : f32 from vector<1xf32>
          %broadcast_in_dim3A_515 = vector.broadcast %squeeze3A_514 : f32 to vector<16xf32>
          %min3A_516 = arith.minimumf %min3A_512, %broadcast_in_dim3A_515 : vector<16xf32>
          %slice3A_517 = vector.extract_strided_slice %while3A_481#0 {offsets = [9], sizes = [1], strides = [1]} : vector<16xf32> to vector<1xf32>
          %squeeze3A_518 = vector.extract %slice3A_517[0] : f32 from vector<1xf32>
          %broadcast_in_dim3A_519 = vector.broadcast %squeeze3A_518 : f32 to vector<16xf32>
          %min3A_520 = arith.minimumf %min3A_516, %broadcast_in_dim3A_519 : vector<16xf32>
          %slice3A_521 = vector.extract_strided_slice %while3A_481#0 {offsets = [10], sizes = [1], strides = [1]} : vector<16xf32> to vector<1xf32>
          %squeeze3A_522 = vector.extract %slice3A_521[0] : f32 from vector<1xf32>
          %broadcast_in_dim3A_523 = vector.broadcast %squeeze3A_522 : f32 to vector<16xf32>
          %min3A_524 = arith.minimumf %min3A_520, %broadcast_in_dim3A_523 : vector<16xf32>
          %slice3A_525 = vector.extract_strided_slice %while3A_481#0 {offsets = [11], sizes = [1], strides = [1]} : vector<16xf32> to vector<1xf32>
          %squeeze3A_526 = vector.extract %slice3A_525[0] : f32 from vector<1xf32>
          %broadcast_in_dim3A_527 = vector.broadcast %squeeze3A_526 : f32 to vector<16xf32>
          %min3A_528 = arith.minimumf %min3A_524, %broadcast_in_dim3A_527 : vector<16xf32>
          %slice3A_529 = vector.extract_strided_slice %while3A_481#0 {offsets = [12], sizes = [1], strides = [1]} : vector<16xf32> to vector<1xf32>
          %squeeze3A_530 = vector.extract %slice3A_529[0] : f32 from vector<1xf32>
          %broadcast_in_dim3A_531 = vector.broadcast %squeeze3A_530 : f32 to vector<16xf32>
          %min3A_532 = arith.minimumf %min3A_528, %broadcast_in_dim3A_531 : vector<16xf32>
          %slice3A_533 = vector.extract_strided_slice %while3A_481#0 {offsets = [13], sizes = [1], strides = [1]} : vector<16xf32> to vector<1xf32>
          %squeeze3A_534 = vector.extract %slice3A_533[0] : f32 from vector<1xf32>
          %broadcast_in_dim3A_535 = vector.broadcast %squeeze3A_534 : f32 to vector<16xf32>
          %min3A_536 = arith.minimumf %min3A_532, %broadcast_in_dim3A_535 : vector<16xf32>
          %slice3A_537 = vector.extract_strided_slice %while3A_481#0 {offsets = [14], sizes = [1], strides = [1]} : vector<16xf32> to vector<1xf32>
          %squeeze3A_538 = vector.extract %slice3A_537[0] : f32 from vector<1xf32>
          %broadcast_in_dim3A_539 = vector.broadcast %squeeze3A_538 : f32 to vector<16xf32>
          %min3A_540 = arith.minimumf %min3A_536, %broadcast_in_dim3A_539 : vector<16xf32>
          %slice3A_541 = vector.extract_strided_slice %while3A_481#0 {offsets = [15], sizes = [1], strides = [1]} : vector<16xf32> to vector<1xf32>
          %squeeze3A_542 = vector.extract %slice3A_541[0] : f32 from vector<1xf32>
          %broadcast_in_dim3A_543 = vector.broadcast %squeeze3A_542 : f32 to vector<16xf32>
          %min3A_544 = arith.minimumf %min3A_540, %broadcast_in_dim3A_543 : vector<16xf32>
          %eq3A_545 = arith.cmpf oeq, %while3A_481#0, %min3A_544 : vector<16xf32>
          %jit3A_546 = arith.constant 4096 : i32
          %broadcast_in_dim3A_547 = vector.broadcast %jit3A_546 : i32 to vector<16xi32>
          %select_n3A_548 = arith.select %eq3A_545, %while3A_481#1, %broadcast_in_dim3A_547 : vector<16xi1>, vector<16xi32>
          %slice3A_549 = vector.extract_strided_slice %select_n3A_548 {offsets = [0], sizes = [1], strides = [1]} : vector<16xi32> to vector<1xi32>
          %squeeze3A_550 = vector.extract %slice3A_549[0] : i32 from vector<1xi32>
          %broadcast_in_dim3A_551 = vector.broadcast %squeeze3A_550 : i32 to vector<16xi32>
          %slice3A_552 = vector.extract_strided_slice %select_n3A_548 {offsets = [1], sizes = [1], strides = [1]} : vector<16xi32> to vector<1xi32>
          %squeeze3A_553 = vector.extract %slice3A_552[0] : i32 from vector<1xi32>
          %broadcast_in_dim3A_554 = vector.broadcast %squeeze3A_553 : i32 to vector<16xi32>
          %min3A_555 = arith.minsi %broadcast_in_dim3A_551, %broadcast_in_dim3A_554 : vector<16xi32>
          %slice3A_556 = vector.extract_strided_slice %select_n3A_548 {offsets = [2], sizes = [1], strides = [1]} : vector<16xi32> to vector<1xi32>
          %squeeze3A_557 = vector.extract %slice3A_556[0] : i32 from vector<1xi32>
          %broadcast_in_dim3A_558 = vector.broadcast %squeeze3A_557 : i32 to vector<16xi32>
          %min3A_559 = arith.minsi %min3A_555, %broadcast_in_dim3A_558 : vector<16xi32>
          %slice3A_560 = vector.extract_strided_slice %select_n3A_548 {offsets = [3], sizes = [1], strides = [1]} : vector<16xi32> to vector<1xi32>
          %squeeze3A_561 = vector.extract %slice3A_560[0] : i32 from vector<1xi32>
          %broadcast_in_dim3A_562 = vector.broadcast %squeeze3A_561 : i32 to vector<16xi32>
          %min3A_563 = arith.minsi %min3A_559, %broadcast_in_dim3A_562 : vector<16xi32>
          %slice3A_564 = vector.extract_strided_slice %select_n3A_548 {offsets = [4], sizes = [1], strides = [1]} : vector<16xi32> to vector<1xi32>
          %squeeze3A_565 = vector.extract %slice3A_564[0] : i32 from vector<1xi32>
          %broadcast_in_dim3A_566 = vector.broadcast %squeeze3A_565 : i32 to vector<16xi32>
          %min3A_567 = arith.minsi %min3A_563, %broadcast_in_dim3A_566 : vector<16xi32>
          %slice3A_568 = vector.extract_strided_slice %select_n3A_548 {offsets = [5], sizes = [1], strides = [1]} : vector<16xi32> to vector<1xi32>
          %squeeze3A_569 = vector.extract %slice3A_568[0] : i32 from vector<1xi32>
          %broadcast_in_dim3A_570 = vector.broadcast %squeeze3A_569 : i32 to vector<16xi32>
          %min3A_571 = arith.minsi %min3A_567, %broadcast_in_dim3A_570 : vector<16xi32>
          %slice3A_572 = vector.extract_strided_slice %select_n3A_548 {offsets = [6], sizes = [1], strides = [1]} : vector<16xi32> to vector<1xi32>
          %squeeze3A_573 = vector.extract %slice3A_572[0] : i32 from vector<1xi32>
          %broadcast_in_dim3A_574 = vector.broadcast %squeeze3A_573 : i32 to vector<16xi32>
          %min3A_575 = arith.minsi %min3A_571, %broadcast_in_dim3A_574 : vector<16xi32>
          %slice3A_576 = vector.extract_strided_slice %select_n3A_548 {offsets = [7], sizes = [1], strides = [1]} : vector<16xi32> to vector<1xi32>
          %squeeze3A_577 = vector.extract %slice3A_576[0] : i32 from vector<1xi32>
          %broadcast_in_dim3A_578 = vector.broadcast %squeeze3A_577 : i32 to vector<16xi32>
          %min3A_579 = arith.minsi %min3A_575, %broadcast_in_dim3A_578 : vector<16xi32>
          %slice3A_580 = vector.extract_strided_slice %select_n3A_548 {offsets = [8], sizes = [1], strides = [1]} : vector<16xi32> to vector<1xi32>
          %squeeze3A_581 = vector.extract %slice3A_580[0] : i32 from vector<1xi32>
          %broadcast_in_dim3A_582 = vector.broadcast %squeeze3A_581 : i32 to vector<16xi32>
          %min3A_583 = arith.minsi %min3A_579, %broadcast_in_dim3A_582 : vector<16xi32>
          %slice3A_584 = vector.extract_strided_slice %select_n3A_548 {offsets = [9], sizes = [1], strides = [1]} : vector<16xi32> to vector<1xi32>
          %squeeze3A_585 = vector.extract %slice3A_584[0] : i32 from vector<1xi32>
          %broadcast_in_dim3A_586 = vector.broadcast %squeeze3A_585 : i32 to vector<16xi32>
          %min3A_587 = arith.minsi %min3A_583, %broadcast_in_dim3A_586 : vector<16xi32>
          %slice3A_588 = vector.extract_strided_slice %select_n3A_548 {offsets = [10], sizes = [1], strides = [1]} : vector<16xi32> to vector<1xi32>
          %squeeze3A_589 = vector.extract %slice3A_588[0] : i32 from vector<1xi32>
          %broadcast_in_dim3A_590 = vector.broadcast %squeeze3A_589 : i32 to vector<16xi32>
          %min3A_591 = arith.minsi %min3A_587, %broadcast_in_dim3A_590 : vector<16xi32>
          %slice3A_592 = vector.extract_strided_slice %select_n3A_548 {offsets = [11], sizes = [1], strides = [1]} : vector<16xi32> to vector<1xi32>
          %squeeze3A_593 = vector.extract %slice3A_592[0] : i32 from vector<1xi32>
          %broadcast_in_dim3A_594 = vector.broadcast %squeeze3A_593 : i32 to vector<16xi32>
          %min3A_595 = arith.minsi %min3A_591, %broadcast_in_dim3A_594 : vector<16xi32>
          %slice3A_596 = vector.extract_strided_slice %select_n3A_548 {offsets = [12], sizes = [1], strides = [1]} : vector<16xi32> to vector<1xi32>
          %squeeze3A_597 = vector.extract %slice3A_596[0] : i32 from vector<1xi32>
          %broadcast_in_dim3A_598 = vector.broadcast %squeeze3A_597 : i32 to vector<16xi32>
          %min3A_599 = arith.minsi %min3A_595, %broadcast_in_dim3A_598 : vector<16xi32>
          %slice3A_600 = vector.extract_strided_slice %select_n3A_548 {offsets = [13], sizes = [1], strides = [1]} : vector<16xi32> to vector<1xi32>
          %squeeze3A_601 = vector.extract %slice3A_600[0] : i32 from vector<1xi32>
          %broadcast_in_dim3A_602 = vector.broadcast %squeeze3A_601 : i32 to vector<16xi32>
          %min3A_603 = arith.minsi %min3A_599, %broadcast_in_dim3A_602 : vector<16xi32>
          %slice3A_604 = vector.extract_strided_slice %select_n3A_548 {offsets = [14], sizes = [1], strides = [1]} : vector<16xi32> to vector<1xi32>
          %squeeze3A_605 = vector.extract %slice3A_604[0] : i32 from vector<1xi32>
          %broadcast_in_dim3A_606 = vector.broadcast %squeeze3A_605 : i32 to vector<16xi32>
          %min3A_607 = arith.minsi %min3A_603, %broadcast_in_dim3A_606 : vector<16xi32>
          %slice3A_608 = vector.extract_strided_slice %select_n3A_548 {offsets = [15], sizes = [1], strides = [1]} : vector<16xi32> to vector<1xi32>
          %squeeze3A_609 = vector.extract %slice3A_608[0] : i32 from vector<1xi32>
          %broadcast_in_dim3A_610 = vector.broadcast %squeeze3A_609 : i32 to vector<16xi32>
          %min3A_611 = arith.minsi %min3A_607, %broadcast_in_dim3A_610 : vector<16xi32>
          %swap3A_612 = arith.constant 0 : index
          %swap3A_613 = tpu.vector_load %arg10[%swap3A_612] {strides = array<i32>} : memref<16xi32, #tpu.memory_space<vmem>>, vector<16xi32>,
          %swap3A_614 = vector.shape_cast %swap3A_613 : vector<16xi32> to vector<16xi32>
          %swap3A_615 = vector.shape_cast %min3A_611 : vector<16xi32> to vector<16xi32>
          tpu.vector_store %arg10[%swap3A_612], %swap3A_615 {strides = array<i32>} : memref<16xi32, #tpu.memory_space<vmem>>, vector<16xi32>,
          %get3A_616 = arith.constant 0 : index
          %get3A_617 = tpu.vector_load %arg10[%get3A_616] {strides = array<i32>} : memref<16xi32, #tpu.memory_space<vmem>>, vector<16xi32>,
          %get3A_618 = vector.shape_cast %get3A_617 : vector<16xi32> to vector<16xi32>
          %slice3A_619 = vector.extract_strided_slice %get3A_618 {offsets = [0], sizes = [1], strides = [1]} : vector<16xi32> to vector<1xi32>
          %squeeze3A_620 = vector.extract %slice3A_619[0] : i32 from vector<1xi32>
          %jit3A_621 = arith.constant 16 : i32
          %div3A_622 = arith.divsi %squeeze3A_620, %jit3A_621 : i32
          %sign3A_623 = arith.constant 0 : i32
          %sign3A_624 = arith.cmpi sgt, %squeeze3A_620, %sign3A_623 : i32
          %sign3A_625 = arith.extui %sign3A_624 : i1 to i32
          %sign3A_626 = arith.constant 0 : i32
          %sign3A_627 = arith.cmpi slt, %squeeze3A_620, %sign3A_626 : i32
          %sign3A_628 = arith.extui %sign3A_627 : i1 to i32
          %sign3A_629 = arith.subi %sign3A_625, %sign3A_628 : i32
          %sign3A_630 = arith.constant 0 : i32
          %sign3A_631 = arith.cmpi sgt, %jit3A_621, %sign3A_630 : i32
          %sign3A_632 = arith.extui %sign3A_631 : i1 to i32
          %sign3A_633 = arith.constant 0 : i32
          %sign3A_634 = arith.cmpi slt, %jit3A_621, %sign3A_633 : i32
          %sign3A_635 = arith.extui %sign3A_634 : i1 to i32
          %sign3A_636 = arith.subi %sign3A_632, %sign3A_635 : i32
          %ne3A_637 = arith.cmpi ne, %sign3A_629, %sign3A_636 : i32
          %rem3A_638 = arith.remsi %squeeze3A_620, %jit3A_621 : i32
          %ne3A_639 = arith.constant 0 : i32
          %ne3A_640 = arith.cmpi ne, %rem3A_638, %ne3A_639 : i32
          %and3A_641 = arith.andi %ne3A_637, %ne3A_640 : i1
          %sub3A_642 = arith.constant 1 : i32
          %sub3A_643 = arith.subi %div3A_622, %sub3A_642 : i32
          %select_n3A_644 = arith.select %and3A_641, %sub3A_643, %div3A_622 : i32
          %mul3A_645 = arith.constant 16 : i32
          %mul3A_646 = arith.muli %select_n3A_644, %mul3A_645 : i32
          %multiple_of3A_647 = tpu.assume_multiple %mul3A_646, 16 : i32
          %add3A_648 = vector.broadcast %multiple_of3A_647 : i32 to vector<16xi32>
          %add3A_649 = arith.addi %iota3A, %add3A_648 : vector<16xi32>
          %eq3A_650 = arith.cmpi eq, %add3A_649, %min3A_611 : vector<16xi32>
          %get3A_651 = arith.index_cast %multiple_of3A_647 : i32 to index
          %get3A_652 = tpu.vector_load %arg6[%get3A_651] {strides = array<i32>} : memref<2048xf32, #tpu.memory_space<vmem>>, vector<16xf32>,
          %get3A_653 = vector.shape_cast %get3A_652 : vector<16xf32> to vector<16xf32>
          %broadcast_in_dim3A_654 = vector.broadcast %squeeze3A : f32 to vector<16xf32>
          %select_n3A_655 = arith.select %eq3A_650, %broadcast_in_dim3A_654, %get3A_653 : vector<16xi1>, vector<16xf32>
          %swap3A_656 = arith.index_cast %multiple_of3A_647 : i32 to index
          %swap3A_657 = tpu.vector_load %arg6[%swap3A_656] {strides = array<i32>} : memref<2048xf32, #tpu.memory_space<vmem>>, vector<16xf32>,
          %swap3A_658 = vector.shape_cast %swap3A_657 : vector<16xf32> to vector<16xf32>
          %swap3A_659 = vector.shape_cast %select_n3A_655 : vector<16xf32> to vector<16xf32>
          tpu.vector_store %arg6[%swap3A_656], %swap3A_659 {strides = array<i32>} : memref<2048xf32, #tpu.memory_space<vmem>>, vector<16xf32>,
          %get3A_660 = arith.index_cast %multiple_of3A_647 : i32 to index
          %get3A_661 = tpu.vector_load %arg7[%get3A_660] {strides = array<i32>} : memref<2048xi32, #tpu.memory_space<vmem>>, vector<16xi32>,
          %get3A_662 = vector.shape_cast %get3A_661 : vector<16xi32> to vector<16xi32>
          %broadcast_in_dim3A_663 = vector.broadcast %add3A_360 : i32 to vector<16xi32>
          %select_n3A_664 = arith.select %eq3A_650, %broadcast_in_dim3A_663, %get3A_662 : vector<16xi1>, vector<16xi32>
          %swap3A_665 = arith.index_cast %multiple_of3A_647 : i32 to index
          %swap3A_666 = tpu.vector_load %arg7[%swap3A_665] {strides = array<i32>} : memref<2048xi32, #tpu.memory_space<vmem>>, vector<16xi32>,
          %swap3A_667 = vector.shape_cast %swap3A_666 : vector<16xi32> to vector<16xi32>
          %swap3A_668 = vector.shape_cast %select_n3A_664 : vector<16xi32> to vector<16xi32>
          tpu.vector_store %arg7[%swap3A_665], %swap3A_668 {strides = array<i32>} : memref<2048xi32, #tpu.memory_space<vmem>>, vector<16xi32>,
        } else {
        }
        %scan3A_350 = arith.constant 0 : i32
        scf.yield %scan3A_350 : i32
      }
      %scan3A_25 = arith.constant 819 : i32
      "tpu.region"() ({
        %run_scoped3A = tpu.sem_alloc : memref<!tpu.dma_semaphore, #tpu.memory_space<semaphore_mem>>
        %dma_start3A_26 = arith.constant 0 : i32
        %dma_start3A_27 = tpu.memref_slice %arg5[%arg1, %dma_start3A_26] : memref<16x2048xi32, #tpu.memory_space<hbm>> -> memref<1x2048xi32, #tpu.memory_space<hbm>>
        %dma_start3A_28 = tpu.memref_squeeze %dma_start3A_27 : memref<1x2048xi32, #tpu.memory_space<hbm>> -> memref<2048xi32, #tpu.memory_space<hbm>>
        %dma_start3A_29 = arith.constant 0 : i32
        %dma_start3A_30 = tpu.memref_slice %arg5[%arg1, %dma_start3A_29] : memref<16x2048xi32, #tpu.memory_space<hbm>> -> memref<1x2048xi32, #tpu.memory_space<hbm>>
        %dma_start3A_31 = tpu.memref_squeeze %dma_start3A_30 : memref<1x2048xi32, #tpu.memory_space<hbm>> -> memref<2048xi32, #tpu.memory_space<hbm>>
        tpu.enqueue_dma source(%arg7 : memref<2048xi32, #tpu.memory_space<vmem>>) target(%dma_start3A_31 : memref<2048xi32, #tpu.memory_space<hbm>>) target_semaphore(%run_scoped3A : memref<!tpu.dma_semaphore, #tpu.memory_space<semaphore_mem>>)
        %dma_wait3A = arith.constant 0 : i32
        %dma_wait3A_32 = tpu.memref_slice %arg5[%arg1, %dma_wait3A] : memref<16x2048xi32, #tpu.memory_space<hbm>> -> memref<1x2048xi32, #tpu.memory_space<hbm>>
        %dma_wait3A_33 = tpu.memref_squeeze %dma_wait3A_32 : memref<1x2048xi32, #tpu.memory_space<hbm>> -> memref<2048xi32, #tpu.memory_space<hbm>>
        %dma_wait3A_34 = arith.constant 0 : i32
        %dma_wait3A_35 = tpu.memref_slice %arg5[%arg1, %dma_wait3A_34] : memref<16x2048xi32, #tpu.memory_space<hbm>> -> memref<1x2048xi32, #tpu.memory_space<hbm>>
        %dma_wait3A_36 = tpu.memref_squeeze %dma_wait3A_35 : memref<1x2048xi32, #tpu.memory_space<hbm>> -> memref<2048xi32, #tpu.memory_space<hbm>>
        tpu.wait_dma2 semaphore(%run_scoped3A : memref<!tpu.dma_semaphore, #tpu.memory_space<semaphore_mem>>) src(%arg7 : memref<2048xi32, #tpu.memory_space<vmem>>) dst(%dma_wait3A_36 : memref<2048xi32, #tpu.memory_space<hbm>>)
        tpu.yield
      }) : () -> ()
    } else {
    }
    return
  }
}

module attributes {stable_mosaic.version = 14 : i64} {
  func.func @_k1_body(%arg0: i32, %arg1: memref<256x1024xf32, #tpu.memory_space<vmem>>, %arg2: memref<1024x1024xf32, #tpu.memory_space<vmem>>, %arg3: memref<1024x1024xf32, #tpu.memory_space<vmem>>, %arg4: memref<1024x1024xf32, #tpu.memory_space<vmem>>, %arg5: memref<256x1024xf32, #tpu.memory_space<vmem>>, %arg6: memref<256x1024xf32, #tpu.memory_space<vmem>>, %arg7: memref<256x1024xf32, #tpu.memory_space<vmem>>, %arg8: memref<256x1024xf32, #tpu.memory_space<vmem>>, %arg9: memref<256x1024xf32, #tpu.memory_space<vmem>>) attributes {dimension_semantics = [#tpu.dimension_semantics<arbitrary>], iteration_bounds = array<i64: 8>, scalar_prefetch = 0 : i64, scratch_operands = 0 : i64, tpu.core_type = #tpu.core_type<tc>, window_params = [{transform_indices = @transform_0, window_bounds = array<i64: 256, 1024>}, {pipeline_mode = #tpu.pipeline_mode<synchronous>, transform_indices = @transform_1, window_bounds = array<i64: 1024, 1024>}, {pipeline_mode = #tpu.pipeline_mode<synchronous>, transform_indices = @transform_2, window_bounds = array<i64: 1024, 1024>}, {pipeline_mode = #tpu.pipeline_mode<synchronous>, transform_indices = @transform_3, window_bounds = array<i64: 1024, 1024>}, {transform_indices = @transform_4, window_bounds = array<i64: 256, 1024>}, {transform_indices = @transform_5, window_bounds = array<i64: 256, 1024>}, {transform_indices = @transform_6, window_bounds = array<i64: 256, 1024>}, {transform_indices = @transform_7, window_bounds = array<i64: 256, 1024>}, {transform_indices = @transform_8, window_bounds = array<i64: 256, 1024>}]} {
    %get3A = arith.constant 0 : index
    %get3A_0 = arith.constant 0 : index
    %get3A_1 = vector.load %arg1[%get3A, %get3A_0] : memref<256x1024xf32, #tpu.memory_space<vmem>>, vector<256x1024xf32>
    %convert_element_type3A = arith.truncf %get3A_1 : vector<256x1024xf32> to vector<256x1024xbf16>
    %get3A_2 = arith.constant 0 : index
    %get3A_3 = arith.constant 0 : index
    %get3A_4 = vector.load %arg2[%get3A_2, %get3A_3] : memref<1024x1024xf32, #tpu.memory_space<vmem>>, vector<1024x1024xf32>
    %convert_element_type3A_5 = arith.truncf %get3A_4 : vector<1024x1024xf32> to vector<1024x1024xbf16>
    %dot_general3A = arith.constant dense<0.000000e+00> : vector<256x1024xf32>
    %dot_general3A_6 = tpu.matmul %convert_element_type3A, %convert_element_type3A_5, %dot_general3A {dimension_numbers = #tpu.dot_dimension_numbers<[1], [1], [0], [0], [0, 0, 1, 0], [], []>, transpose_lhs_hint = false} : vector<256x1024xbf16>, vector<1024x1024xbf16>, vector<256x1024xf32> -> vector<256x1024xf32>
    %get3A_7 = arith.constant 0 : index
    %get3A_8 = arith.constant 0 : index
    %get3A_9 = vector.load %arg3[%get3A_7, %get3A_8] : memref<1024x1024xf32, #tpu.memory_space<vmem>>, vector<1024x1024xf32>
    %convert_element_type3A_10 = arith.truncf %get3A_9 : vector<1024x1024xf32> to vector<1024x1024xbf16>
    %dot_general3A_11 = arith.constant dense<0.000000e+00> : vector<256x1024xf32>
    %dot_general3A_12 = tpu.matmul %convert_element_type3A, %convert_element_type3A_10, %dot_general3A_11 {dimension_numbers = #tpu.dot_dimension_numbers<[1], [1], [0], [0], [0, 0, 1, 0], [], []>, transpose_lhs_hint = false} : vector<256x1024xbf16>, vector<1024x1024xbf16>, vector<256x1024xf32> -> vector<256x1024xf32>
    %get3A_13 = arith.constant 0 : index
    %get3A_14 = arith.constant 0 : index
    %get3A_15 = vector.load %arg4[%get3A_13, %get3A_14] : memref<1024x1024xf32, #tpu.memory_space<vmem>>, vector<1024x1024xf32>
    %convert_element_type3A_16 = arith.truncf %get3A_15 : vector<1024x1024xf32> to vector<1024x1024xbf16>
    %dot_general3A_17 = arith.constant dense<0.000000e+00> : vector<256x1024xf32>
    %dot_general3A_18 = tpu.matmul %convert_element_type3A, %convert_element_type3A_16, %dot_general3A_17 {dimension_numbers = #tpu.dot_dimension_numbers<[1], [1], [0], [0], [0, 0, 1, 0], [], []>, transpose_lhs_hint = false} : vector<256x1024xbf16>, vector<1024x1024xbf16>, vector<256x1024xf32> -> vector<256x1024xf32>
    %get3A_19 = arith.constant 0 : index
    %get3A_20 = arith.constant 0 : index
    %get3A_21 = vector.load %arg5[%get3A_19, %get3A_20] : memref<256x1024xf32, #tpu.memory_space<vmem>>, vector<256x1024xf32>
    %get3A_22 = arith.constant 0 : index
    %get3A_23 = arith.constant 0 : index
    %get3A_24 = vector.load %arg6[%get3A_22, %get3A_23] : memref<256x1024xf32, #tpu.memory_space<vmem>>, vector<256x1024xf32>
    %slice3A = vector.extract_strided_slice %dot_general3A_6 {offsets = [0, 512], sizes = [256, 512], strides = [1, 1]} : vector<256x1024xf32> to vector<256x512xf32>
    %neg3A = arith.constant 0.000000e+00 : f32
    %neg3A_25 = vector.broadcast %neg3A : f32 to vector<256x512xf32>
    %neg3A_26 = arith.subf %neg3A_25, %slice3A : vector<256x512xf32>
    %slice3A_27 = vector.extract_strided_slice %dot_general3A_6 {offsets = [0, 0], sizes = [256, 512], strides = [1, 1]} : vector<256x1024xf32> to vector<256x512xf32>
    %concatenate3A = tpu.concatenate %neg3A_26, %slice3A_27 in 1 : vector<256x512xf32>, vector<256x512xf32> -> vector<256x1024xf32>
    %slice3A_28 = vector.extract_strided_slice %dot_general3A_12 {offsets = [0, 512], sizes = [256, 512], strides = [1, 1]} : vector<256x1024xf32> to vector<256x512xf32>
    %neg3A_29 = arith.constant 0.000000e+00 : f32
    %neg3A_30 = vector.broadcast %neg3A_29 : f32 to vector<256x512xf32>
    %neg3A_31 = arith.subf %neg3A_30, %slice3A_28 : vector<256x512xf32>
    %slice3A_32 = vector.extract_strided_slice %dot_general3A_12 {offsets = [0, 0], sizes = [256, 512], strides = [1, 1]} : vector<256x1024xf32> to vector<256x512xf32>
    %concatenate3A_33 = tpu.concatenate %neg3A_31, %slice3A_32 in 1 : vector<256x512xf32>, vector<256x512xf32> -> vector<256x1024xf32>
    %mul3A = arith.mulf %dot_general3A_6, %get3A_21 : vector<256x1024xf32>
    %mul3A_34 = arith.mulf %concatenate3A, %get3A_24 : vector<256x1024xf32>
    %add3A = arith.addf %mul3A, %mul3A_34 : vector<256x1024xf32>
    %swap3A = arith.constant 0 : index
    %swap3A_35 = arith.constant 0 : index
    %swap3A_36 = vector.load %arg7[%swap3A, %swap3A_35] : memref<256x1024xf32, #tpu.memory_space<vmem>>, vector<256x1024xf32>
    tpu.vector_store %arg7[%swap3A, %swap3A_35], %add3A {strides = array<i32>} : memref<256x1024xf32, #tpu.memory_space<vmem>>, vector<256x1024xf32>,
    %mul3A_37 = arith.mulf %dot_general3A_12, %get3A_21 : vector<256x1024xf32>
    %mul3A_38 = arith.mulf %concatenate3A_33, %get3A_24 : vector<256x1024xf32>
    %add3A_39 = arith.addf %mul3A_37, %mul3A_38 : vector<256x1024xf32>
    %swap3A_40 = arith.constant 0 : index
    %swap3A_41 = arith.constant 0 : index
    %swap3A_42 = vector.load %arg8[%swap3A_40, %swap3A_41] : memref<256x1024xf32, #tpu.memory_space<vmem>>, vector<256x1024xf32>
    tpu.vector_store %arg8[%swap3A_40, %swap3A_41], %add3A_39 {strides = array<i32>} : memref<256x1024xf32, #tpu.memory_space<vmem>>, vector<256x1024xf32>,
    %swap3A_43 = arith.constant 0 : index
    %swap3A_44 = arith.constant 0 : index
    %swap3A_45 = vector.load %arg9[%swap3A_43, %swap3A_44] : memref<256x1024xf32, #tpu.memory_space<vmem>>, vector<256x1024xf32>
    tpu.vector_store %arg9[%swap3A_43, %swap3A_44], %dot_general3A_18 {strides = array<i32>} : memref<256x1024xf32, #tpu.memory_space<vmem>>, vector<256x1024xf32>,
    return
  }
  func.func @transform_0(%arg0: i32) -> (i32, i32) {
    %c0_i32 = arith.constant 0 : i32
    %c0_i32_0 = arith.constant 0 : i32
    return %arg0, %c0_i32 : i32, i32
  }
  func.func @transform_1(%arg0: i32) -> (i32, i32) {
    %c0_i32 = arith.constant 0 : i32
    %c0_i32_0 = arith.constant 0 : i32
    %c0_i32_1 = arith.constant 0 : i32
    return %c0_i32, %c0_i32_0 : i32, i32
  }
  func.func @transform_2(%arg0: i32) -> (i32, i32) {
    %c0_i32 = arith.constant 0 : i32
    %c0_i32_0 = arith.constant 0 : i32
    %c0_i32_1 = arith.constant 0 : i32
    return %c0_i32, %c0_i32_0 : i32, i32
  }
  func.func @transform_3(%arg0: i32) -> (i32, i32) {
    %c0_i32 = arith.constant 0 : i32
    %c0_i32_0 = arith.constant 0 : i32
    %c0_i32_1 = arith.constant 0 : i32
    return %c0_i32, %c0_i32_0 : i32, i32
  }
  func.func @transform_4(%arg0: i32) -> (i32, i32) {
    %c0_i32 = arith.constant 0 : i32
    %c0_i32_0 = arith.constant 0 : i32
    return %arg0, %c0_i32 : i32, i32
  }
  func.func @transform_5(%arg0: i32) -> (i32, i32) {
    %c0_i32 = arith.constant 0 : i32
    %c0_i32_0 = arith.constant 0 : i32
    return %arg0, %c0_i32 : i32, i32
  }
  func.func @transform_6(%arg0: i32) -> (i32, i32) {
    %c0_i32 = arith.constant 0 : i32
    %c0_i32_0 = arith.constant 0 : i32
    return %arg0, %c0_i32 : i32, i32
  }
  func.func @transform_7(%arg0: i32) -> (i32, i32) {
    %c0_i32 = arith.constant 0 : i32
    %c0_i32_0 = arith.constant 0 : i32
    return %arg0, %c0_i32 : i32, i32
  }
  func.func @transform_8(%arg0: i32) -> (i32, i32) {
    %c0_i32 = arith.constant 0 : i32
    %c0_i32_0 = arith.constant 0 : i32
    return %arg0, %c0_i32 : i32, i32
  }
}

module attributes {stable_mosaic.version = 14 : i64} {
  func.func @_k2_body(%arg0: i32, %arg1: i32, %arg2: memref<1x128x64xf32, #tpu.memory_space<vmem>>, %arg3: memref<1x2048x64xf32, #tpu.memory_space<vmem>>, %arg4: memref<1x128x2048xf32, #tpu.memory_space<vmem>>, %arg5: memref<1x1x2048xf32, #tpu.memory_space<vmem>>) attributes {dimension_semantics = [#tpu.dimension_semantics<arbitrary>, #tpu.dimension_semantics<arbitrary>], iteration_bounds = array<i64: 16, 16>, scalar_prefetch = 0 : i64, scratch_operands = 0 : i64, tpu.core_type = #tpu.core_type<tc>, window_params = [{transform_indices = @transform_0, window_bounds = array<i64: 1, 128, 64>}, {transform_indices = @transform_1, window_bounds = array<i64: 1, 2048, 64>}, {transform_indices = @transform_2, window_bounds = array<i64: 1, 128, 2048>}, {transform_indices = @transform_3, window_bounds = array<i64: 1, 1, 2048>}]} {
    %get3A = arith.constant 0 : index
    %get3A_0 = arith.constant 0 : index
    %get3A_1 = arith.constant 0 : index
    %get3A_2 = vector.load %arg2[%get3A, %get3A_0, %get3A_1] : memref<1x128x64xf32, #tpu.memory_space<vmem>>, vector<1x128x64xf32>
    %get3A_3 = vector.shape_cast %get3A_2 : vector<1x128x64xf32> to vector<128x64xf32>
    %convert_element_type3A = arith.truncf %get3A_3 : vector<128x64xf32> to vector<128x64xbf16>
    %get3A_4 = arith.constant 0 : index
    %get3A_5 = arith.constant 0 : index
    %get3A_6 = arith.constant 0 : index
    %get3A_7 = vector.load %arg3[%get3A_4, %get3A_5, %get3A_6] : memref<1x2048x64xf32, #tpu.memory_space<vmem>>, vector<1x2048x64xf32>
    %get3A_8 = vector.shape_cast %get3A_7 : vector<1x2048x64xf32> to vector<2048x64xf32>
    %convert_element_type3A_9 = arith.truncf %get3A_8 : vector<2048x64xf32> to vector<2048x64xbf16>
    %dot_general3A = arith.constant dense<0.000000e+00> : vector<128x2048xf32>
    %dot_general3A_10 = tpu.matmul %convert_element_type3A, %convert_element_type3A_9, %dot_general3A {dimension_numbers = #tpu.dot_dimension_numbers<[1], [1], [0], [0], [0, 0, 1, 0], [], []>, transpose_lhs_hint = false} : vector<128x64xbf16>, vector<2048x64xbf16>, vector<128x2048xf32> -> vector<128x2048xf32>
    %mul3A = arith.constant 1.250000e-01 : f32
    %mul3A_11 = vector.broadcast %mul3A : f32 to vector<128x2048xf32>
    %mul3A_12 = arith.mulf %dot_general3A_10, %mul3A_11 : vector<128x2048xf32>
    %mul3A_13 = arith.constant 128 : i32
    %mul3A_14 = arith.muli %arg1, %mul3A_13 : i32
    %iota3A = tpu.iota {dimensions = array<i32: 0>} : vector<128x1xi32>
    %add3A = vector.broadcast %mul3A_14 : i32 to vector<128x1xi32>
    %add3A_15 = arith.addi %add3A, %iota3A : vector<128x1xi32>
    %iota3A_16 = tpu.iota {dimensions = array<i32: 1>} : vector<128x2048xi32>
    %le3A = vector.broadcast %add3A_15 : vector<128x1xi32> to vector<128x2048xi32>
    %le3A_17 = arith.cmpi sle, %iota3A_16, %le3A : vector<128x2048xi32>
    %jit3A = arith.constant -3.40282347E+38 : f32
    %broadcast_in_dim3A = vector.broadcast %jit3A : f32 to vector<128x2048xf32>
    %select_n3A = arith.select %le3A_17, %mul3A_12, %broadcast_in_dim3A : vector<128x2048xi1>, vector<128x2048xf32>
    %reduce_max3A = arith.constant dense<0xFF800000> : vector<128xf32>
    %reduce_max3A_18 = vector.multi_reduction <maximumf>, %select_n3A, %reduce_max3A [1] : vector<128x2048xf32> to vector<128xf32>
    %broadcast_in_dim3A_19 = vector.shape_cast %reduce_max3A_18 : vector<128xf32> to vector<128x1xf32>
    %sub3A = vector.broadcast %broadcast_in_dim3A_19 : vector<128x1xf32> to vector<128x2048xf32>
    %sub3A_20 = arith.subf %select_n3A, %sub3A : vector<128x2048xf32>
    %exp3A = math.exp %sub3A_20 : vector<128x2048xf32>
    %reduce_sum3A = arith.constant dense<0.000000e+00> : vector<128xf32>
    %reduce_sum3A_21 = vector.multi_reduction <add>, %exp3A, %reduce_sum3A [1] : vector<128x2048xf32> to vector<128xf32>
    %broadcast_in_dim3A_22 = vector.shape_cast %reduce_sum3A_21 : vector<128xf32> to vector<128x1xf32>
    %div3A = vector.broadcast %broadcast_in_dim3A_22 : vector<128x1xf32> to vector<128x2048xf32>
    %div3A_23 = arith.divf %exp3A, %div3A : vector<128x2048xf32>
    %swap3A = arith.constant 0 : index
    %swap3A_24 = arith.constant 0 : index
    %swap3A_25 = arith.constant 0 : index
    %swap3A_26 = vector.load %arg4[%swap3A, %swap3A_24, %swap3A_25] : memref<1x128x2048xf32, #tpu.memory_space<vmem>>, vector<1x128x2048xf32>
    %swap3A_27 = vector.shape_cast %swap3A_26 : vector<1x128x2048xf32> to vector<128x2048xf32>
    %swap3A_28 = vector.shape_cast %div3A_23 : vector<128x2048xf32> to vector<1x128x2048xf32>
    tpu.vector_store %arg4[%swap3A, %swap3A_24, %swap3A_25], %swap3A_28 {strides = array<i32>} : memref<1x128x2048xf32, #tpu.memory_space<vmem>>, vector<1x128x2048xf32>,
    %ge3A = arith.constant 410 : i32
    %ge3A_29 = vector.broadcast %ge3A : i32 to vector<128x1xi32>
    %ge3A_30 = arith.cmpi sge, %add3A_15, %ge3A_29 : vector<128x1xi32>
    %jit3A_31 = arith.constant 0.000000e+00 : f32
    %broadcast_in_dim3A_32 = vector.shape_cast %ge3A_30 : vector<128x1xi1> to vector<128x1xi1>
    %broadcast_in_dim3A_33 = vector.broadcast %broadcast_in_dim3A_32 : vector<128x1xi1> to vector<128x2048xi1>
    %broadcast_in_dim3A_34 = vector.broadcast %jit3A_31 : f32 to vector<128x2048xf32>
    %select_n3A_35 = arith.select %broadcast_in_dim3A_33, %div3A_23, %broadcast_in_dim3A_34 : vector<128x2048xi1>, vector<128x2048xf32>
    %reduce_sum3A_36 = arith.constant dense<0.000000e+00> : vector<2048xf32>
    %reduce_sum3A_37 = vector.multi_reduction <add>, %select_n3A_35, %reduce_sum3A_36 [0] : vector<128x2048xf32> to vector<2048xf32>
    %broadcast_in_dim3A_38 = vector.shape_cast %reduce_sum3A_37 : vector<2048xf32> to vector<1x2048xf32>
    %eq3A = arith.constant 0 : i32
    %eq3A_39 = arith.cmpi eq, %arg1, %eq3A : i32
    %convert_element_type3A_40 = arith.extui %eq3A_39 : i1 to i32
    %cond3A = arith.constant 0 : i32
    %cond3A_41 = arith.cmpi ne, %convert_element_type3A_40, %cond3A : i32
    scf.if %cond3A_41 {
      %swap3A_46 = arith.constant 0 : index
      %swap3A_47 = arith.constant 0 : index
      %swap3A_48 = arith.constant 0 : index
      %swap3A_49 = vector.load %arg5[%swap3A_46, %swap3A_47, %swap3A_48] : memref<1x1x2048xf32, #tpu.memory_space<vmem>>, vector<1x1x2048xf32>
      %swap3A_50 = vector.shape_cast %swap3A_49 : vector<1x1x2048xf32> to vector<1x2048xf32>
      %swap3A_51 = vector.shape_cast %broadcast_in_dim3A_38 : vector<1x2048xf32> to vector<1x1x2048xf32>
      tpu.vector_store %arg5[%swap3A_46, %swap3A_47, %swap3A_48], %swap3A_51 {strides = array<i32>} : memref<1x1x2048xf32, #tpu.memory_space<vmem>>, vector<1x1x2048xf32>,
    } else {
    }
    %gt3A = arith.constant 0 : i32
    %gt3A_42 = arith.cmpi sgt, %arg1, %gt3A : i32
    %convert_element_type3A_43 = arith.extui %gt3A_42 : i1 to i32
    %cond3A_44 = arith.constant 0 : i32
    %cond3A_45 = arith.cmpi ne, %convert_element_type3A_43, %cond3A_44 : i32
    scf.if %cond3A_45 {
      %get3A_46 = arith.constant 0 : index
      %get3A_47 = arith.constant 0 : index
      %get3A_48 = arith.constant 0 : index
      %get3A_49 = vector.load %arg5[%get3A_46, %get3A_47, %get3A_48] : memref<1x1x2048xf32, #tpu.memory_space<vmem>>, vector<1x1x2048xf32>
      %get3A_50 = vector.shape_cast %get3A_49 : vector<1x1x2048xf32> to vector<1x2048xf32>
      %add3A_51 = arith.addf %get3A_50, %broadcast_in_dim3A_38 : vector<1x2048xf32>
      %swap3A_52 = arith.constant 0 : index
      %swap3A_53 = arith.constant 0 : index
      %swap3A_54 = arith.constant 0 : index
      %swap3A_55 = vector.load %arg5[%swap3A_52, %swap3A_53, %swap3A_54] : memref<1x1x2048xf32, #tpu.memory_space<vmem>>, vector<1x1x2048xf32>
      %swap3A_56 = vector.shape_cast %swap3A_55 : vector<1x1x2048xf32> to vector<1x2048xf32>
      %swap3A_57 = vector.shape_cast %add3A_51 : vector<1x2048xf32> to vector<1x1x2048xf32>
      tpu.vector_store %arg5[%swap3A_52, %swap3A_53, %swap3A_54], %swap3A_57 {strides = array<i32>} : memref<1x1x2048xf32, #tpu.memory_space<vmem>>, vector<1x1x2048xf32>,
    } else {
    }
    return
  }
  func.func @transform_0(%arg0: i32, %arg1: i32) -> (i32, i32, i32) {
    %c0_i32 = arith.constant 0 : i32
    %c0_i32_0 = arith.constant 0 : i32
    return %arg0, %arg1, %c0_i32 : i32, i32, i32
  }
  func.func @transform_1(%arg0: i32, %arg1: i32) -> (i32, i32, i32) {
    %c0_i32 = arith.constant 0 : i32
    %c0_i32_0 = arith.constant 0 : i32
    %c0_i32_1 = arith.constant 0 : i32
    return %arg0, %c0_i32, %c0_i32_0 : i32, i32, i32
  }
  func.func @transform_2(%arg0: i32, %arg1: i32) -> (i32, i32, i32) {
    %c0_i32 = arith.constant 0 : i32
    %c0_i32_0 = arith.constant 0 : i32
    return %arg0, %arg1, %c0_i32 : i32, i32, i32
  }
  func.func @transform_3(%arg0: i32, %arg1: i32) -> (i32, i32, i32) {
    %c0_i32 = arith.constant 0 : i32
    %c0_i32_0 = arith.constant 0 : i32
    %c0_i32_1 = arith.constant 0 : i32
    return %arg0, %c0_i32, %c0_i32_0 : i32, i32, i32
  }
}

module attributes {stable_mosaic.version = 14 : i64} {
  func.func @_k4_body(%arg0: i32, %arg1: i32, %arg2: memref<1x256x2048xf32, #tpu.memory_space<vmem>>, %arg3: memref<1x1x2048xi32, #tpu.memory_space<vmem>>, %arg4: memref<1x2048x64xf32, #tpu.memory_space<vmem>>, %arg5: memref<1x256x64xf32, #tpu.memory_space<vmem>>) attributes {dimension_semantics = [#tpu.dimension_semantics<arbitrary>, #tpu.dimension_semantics<arbitrary>], iteration_bounds = array<i64: 16, 8>, scalar_prefetch = 0 : i64, scratch_operands = 0 : i64, tpu.core_type = #tpu.core_type<tc>, window_params = [{transform_indices = @transform_0, window_bounds = array<i64: 1, 256, 2048>}, {transform_indices = @transform_1, window_bounds = array<i64: 1, 1, 2048>}, {transform_indices = @transform_2, window_bounds = array<i64: 1, 2048, 64>}, {transform_indices = @transform_3, window_bounds = array<i64: 1, 256, 64>}]} {
    %get3A = arith.constant 0 : index
    %get3A_0 = arith.constant 0 : index
    %get3A_1 = arith.constant 0 : index
    %get3A_2 = vector.load %arg2[%get3A, %get3A_0, %get3A_1] : memref<1x256x2048xf32, #tpu.memory_space<vmem>>, vector<1x256x2048xf32>
    %get3A_3 = vector.shape_cast %get3A_2 : vector<1x256x2048xf32> to vector<256x2048xf32>
    %get3A_4 = arith.constant 0 : index
    %get3A_5 = arith.constant 0 : index
    %get3A_6 = arith.constant 0 : index
    %get3A_7 = vector.load %arg3[%get3A_4, %get3A_5, %get3A_6] : memref<1x1x2048xi32, #tpu.memory_space<vmem>>, vector<1x1x2048xi32>
    %get3A_8 = vector.shape_cast %get3A_7 : vector<1x1x2048xi32> to vector<1x2048xi32>
    %mul3A = arith.constant 256 : i32
    %mul3A_9 = arith.muli %arg1, %mul3A : i32
    %iota3A = tpu.iota {dimensions = array<i32: 0>} : vector<256x1xi32>
    %add3A = vector.broadcast %mul3A_9 : i32 to vector<256x1xi32>
    %add3A_10 = arith.addi %add3A, %iota3A : vector<256x1xi32>
    %ge3A = vector.broadcast %get3A_8 : vector<1x2048xi32> to vector<256x2048xi32>
    %ge3A_11 = vector.broadcast %add3A_10 : vector<256x1xi32> to vector<256x2048xi32>
    %ge3A_12 = arith.cmpi sge, %ge3A, %ge3A_11 : vector<256x2048xi32>
    %jit3A = arith.constant 0.000000e+00 : f32
    %broadcast_in_dim3A = vector.broadcast %jit3A : f32 to vector<256x2048xf32>
    %select_n3A = arith.select %ge3A_12, %get3A_3, %broadcast_in_dim3A : vector<256x2048xi1>, vector<256x2048xf32>
    %reduce_sum3A = arith.constant dense<0.000000e+00> : vector<256xf32>
    %reduce_sum3A_13 = vector.multi_reduction <add>, %select_n3A, %reduce_sum3A [1] : vector<256x2048xf32> to vector<256xf32>
    %broadcast_in_dim3A_14 = vector.shape_cast %reduce_sum3A_13 : vector<256xf32> to vector<256x1xf32>
    %div3A = vector.broadcast %broadcast_in_dim3A_14 : vector<256x1xf32> to vector<256x2048xf32>
    %div3A_15 = arith.divf %select_n3A, %div3A : vector<256x2048xf32>
    %convert_element_type3A = arith.truncf %div3A_15 : vector<256x2048xf32> to vector<256x2048xbf16>
    %get3A_16 = arith.constant 0 : index
    %get3A_17 = arith.constant 0 : index
    %get3A_18 = arith.constant 0 : index
    %get3A_19 = vector.load %arg4[%get3A_16, %get3A_17, %get3A_18] : memref<1x2048x64xf32, #tpu.memory_space<vmem>>, vector<1x2048x64xf32>
    %get3A_20 = vector.shape_cast %get3A_19 : vector<1x2048x64xf32> to vector<2048x64xf32>
    %convert_element_type3A_21 = arith.truncf %get3A_20 : vector<2048x64xf32> to vector<2048x64xbf16>
    %dot_general3A = arith.constant dense<0.000000e+00> : vector<256x64xf32>
    %dot_general3A_22 = tpu.matmul %convert_element_type3A, %convert_element_type3A_21, %dot_general3A {dimension_numbers = #tpu.dot_dimension_numbers<[1], [0], [0], [1], [0, 0, 1, 1], [], []>, transpose_lhs_hint = false} : vector<256x2048xbf16>, vector<2048x64xbf16>, vector<256x64xf32> -> vector<256x64xf32>
    %swap3A = arith.constant 0 : index
    %swap3A_23 = arith.constant 0 : index
    %swap3A_24 = arith.constant 0 : index
    %swap3A_25 = vector.load %arg5[%swap3A, %swap3A_23, %swap3A_24] : memref<1x256x64xf32, #tpu.memory_space<vmem>>, vector<1x256x64xf32>
    %swap3A_26 = vector.shape_cast %swap3A_25 : vector<1x256x64xf32> to vector<256x64xf32>
    %swap3A_27 = vector.shape_cast %dot_general3A_22 : vector<256x64xf32> to vector<1x256x64xf32>
    tpu.vector_store %arg5[%swap3A, %swap3A_23, %swap3A_24], %swap3A_27 {strides = array<i32>} : memref<1x256x64xf32, #tpu.memory_space<vmem>>, vector<1x256x64xf32>,
    return
  }
  func.func @transform_0(%arg0: i32, %arg1: i32) -> (i32, i32, i32) {
    %c0_i32 = arith.constant 0 : i32
    %c0_i32_0 = arith.constant 0 : i32
    return %arg0, %arg1, %c0_i32 : i32, i32, i32
  }
  func.func @transform_1(%arg0: i32, %arg1: i32) -> (i32, i32, i32) {
    %c0_i32 = arith.constant 0 : i32
    %c0_i32_0 = arith.constant 0 : i32
    %c0_i32_1 = arith.constant 0 : i32
    return %arg0, %c0_i32, %c0_i32_0 : i32, i32, i32
  }
  func.func @transform_2(%arg0: i32, %arg1: i32) -> (i32, i32, i32) {
    %c0_i32 = arith.constant 0 : i32
    %c0_i32_0 = arith.constant 0 : i32
    %c0_i32_1 = arith.constant 0 : i32
    return %arg0, %c0_i32, %c0_i32_0 : i32, i32, i32
  }
  func.func @transform_3(%arg0: i32, %arg1: i32) -> (i32, i32, i32) {
    %c0_i32 = arith.constant 0 : i32
    %c0_i32_0 = arith.constant 0 : i32
    return %arg0, %arg1, %c0_i32 : i32, i32, i32
  }
}

module attributes {stable_mosaic.version = 14 : i64} {
  func.func @_k5_body(%arg0: i32, %arg1: memref<256x1024xf32, #tpu.memory_space<vmem>>, %arg2: memref<1024x1024xf32, #tpu.memory_space<vmem>>, %arg3: memref<256x1024xf32, #tpu.memory_space<vmem>>) attributes {dimension_semantics = [#tpu.dimension_semantics<arbitrary>], iteration_bounds = array<i64: 8>, scalar_prefetch = 0 : i64, scratch_operands = 0 : i64, tpu.core_type = #tpu.core_type<tc>, window_params = [{transform_indices = @transform_0, window_bounds = array<i64: 256, 1024>}, {pipeline_mode = #tpu.pipeline_mode<synchronous>, transform_indices = @transform_1, window_bounds = array<i64: 1024, 1024>}, {transform_indices = @transform_2, window_bounds = array<i64: 256, 1024>}]} {
    %get3A = arith.constant 0 : index
    %get3A_0 = arith.constant 0 : index
    %get3A_1 = vector.load %arg1[%get3A, %get3A_0] : memref<256x1024xf32, #tpu.memory_space<vmem>>, vector<256x1024xf32>
    %convert_element_type3A = arith.truncf %get3A_1 : vector<256x1024xf32> to vector<256x1024xbf16>
    %get3A_2 = arith.constant 0 : index
    %get3A_3 = arith.constant 0 : index
    %get3A_4 = vector.load %arg2[%get3A_2, %get3A_3] : memref<1024x1024xf32, #tpu.memory_space<vmem>>, vector<1024x1024xf32>
    %convert_element_type3A_5 = arith.truncf %get3A_4 : vector<1024x1024xf32> to vector<1024x1024xbf16>
    %dot_general3A = arith.constant dense<0.000000e+00> : vector<256x1024xf32>
    %dot_general3A_6 = tpu.matmul %convert_element_type3A, %convert_element_type3A_5, %dot_general3A {dimension_numbers = #tpu.dot_dimension_numbers<[1], [1], [0], [0], [0, 0, 1, 0], [], []>, transpose_lhs_hint = false} : vector<256x1024xbf16>, vector<1024x1024xbf16>, vector<256x1024xf32> -> vector<256x1024xf32>
    %swap3A = arith.constant 0 : index
    %swap3A_7 = arith.constant 0 : index
    %swap3A_8 = vector.load %arg3[%swap3A, %swap3A_7] : memref<256x1024xf32, #tpu.memory_space<vmem>>, vector<256x1024xf32>
    tpu.vector_store %arg3[%swap3A, %swap3A_7], %dot_general3A_6 {strides = array<i32>} : memref<256x1024xf32, #tpu.memory_space<vmem>>, vector<256x1024xf32>,
    return
  }
  func.func @transform_0(%arg0: i32) -> (i32, i32) {
    %c0_i32 = arith.constant 0 : i32
    %c0_i32_0 = arith.constant 0 : i32
    return %arg0, %c0_i32 : i32, i32
  }
  func.func @transform_1(%arg0: i32) -> (i32, i32) {
    %c0_i32 = arith.constant 0 : i32
    %c0_i32_0 = arith.constant 0 : i32
    %c0_i32_1 = arith.constant 0 : i32
    return %c0_i32, %c0_i32_0 : i32, i32
  }
  func.func @transform_2(%arg0: i32) -> (i32, i32) {
    %c0_i32 = arith.constant 0 : i32
    %c0_i32_0 = arith.constant 0 : i32
    return %arg0, %c0_i32 : i32, i32
  }
}

</mosaic_0001>

<sc_bundles>
// kernel: gather_offload_async_start.1
scs
__scs_entry_jumppad:
0x0: {  	(pc) =	sbr.rel $0x88, $3  }
0x1: {  	(tag) =	ssettag $0x0;
	lr =	simm.s32 $0x1  }
0x2: {  	[smem:$0x3F9B] =	sst lr;
	_ =	strace $0xD0000000  }
0x3: {  	_ = 	snop  }
0x4: {  	_ = 	snop  }
0x5: {  	_ = 	snop  }
0x6: {  	_ = 	snop  }
0x7: {  	_ = 	snop  }
__scs_overlays_trampoline_lowered:
0x8: {  	[smem:$0x3FAA] =	sst s0  }
0x9: {  	[smem:$0x3FAB] =	sst s1  }
0xa: {  	[smem:$0x3FAC] =	sst s2  }
0xb: {  	[smem:$0x3FAD] =	sst s3  }
0xc: {  	[smem:$0x3FAE] =	sst s4  }
0xd: {  	[smem:$0x3FAF] =	sst s5  }
0xe: {  	[smem:$0x3FB0] =	sst s6  }
0xf: {  	[smem:$0x3FB1] =	sst s7  }
0x10: {  	[smem:$0x3FB2] =	sst s8  }
0x11: {  	[smem:$0x3FB3] =	sst s9;
	s0 =	simm.s32 @!p0 $0x0  }
0x12: {  	s1 =	sld [smem:$0x3F99];
	s0 =	simm.s32 @p0 $0x1  }
0x13: {  	[smem:$0x3FB4] =	sst s0;
	s0 =	simm.s32 @!p1 $0x0  }
0x14: {  	s2 =	sld [smem:$0x3F98];
	s0 =	simm.s32 @p1 $0x1  }
0x15: {  	[smem:$0x3FB5] =	sst s0;
	s0 =	simm.s32 @!p2 $0x0  }
0x16: {  	s3 =	sld [smem:$0x3FDB];
	s0 =	simm.s32 @p2 $0x1  }
0x17: {  	s4 =	simm.s32 $0x1BF5;
	[smem:$0x3FB7] =	sst s0  }
0x18: {  	s0 =	sld [smem:$0x3F9A];
	_ =	swait.ge [sflag:s4], $0x0  }
0x19: {  	s7 =	sld [smem:$0x3F9B]  }
0x1a: {  	s8 =	sadd.s32 $0xFFFFE003, lr  }
0x1b: {  	s9 =	sadd.s32 $0xFFFFFEF7, lr;
	s5 =	simm.s32 $0xFFFFFFFF;
	p2 =	slt.u32 s8, $0xFFFFF086  }
0x1c: {  	p1 =	slt.u32 s9, $0xF7A;
	s5 =	simm.s32 @!p2 $0x0  }
0x1d: {  	s5 =	simm.s32 @p1 $0x1;
	p0 =	seq.s32 s7, s2  }
0x1e: {  	s7 =	smul.u32 @!p0 $0xF7A, s2;
	p2 =	seq.s32 @!p0 s5, $0x0  }
0x1f: {  	s9 =	smul.u32 $0xF7A, s1;
	s8 =	simm.s32 @!p0 $0x1BF5;
	p2 =	por !p2, p0  }
0x20: {  	[sflag:s8] =	ssyncset.s32 @!p0 $0xFFFFF086;
	s6 =	sadd.s32 @!p0 s3, s7;
	s7 =	simm.s32 @!p0 $0x108  }
0x21: {  	s3 =	sadd.s32 s3, s9;
	s6 =	sadd.s32 @!p0 $0x88, s6;
	s7 =	simm.s32 @p2 $0x1082  }
0x22: {  	[simem:s7], [sflag:s8] =	dma.local @!p0 [hbm:s6], $0xF7A  }
0x23: {  	s9 =	sor.u32 $0xD0000000, s2;
	s6 =	simm.s32 $0x108;
	_ =	swait.ge @!p0 [sflag:s8], $0x0  }
0x24: {  	s3 =	sadd.s32 $0x88, s3;
	s6 =	simm.s32 @!p1 $0x1082;
	[sflag:s4] =	ssyncset.s32 $0xFFFFF086  }
0x25: {  	[simem:s6], [sflag:s4] =	dma.local [hbm:s3], $0xF7A  }
0x26: {  	[smem:$0x3F9B] =	sst s1;
	(tag) =	ssettag s2;
	_ =	strace s9  }
0x27: {  	s1 =	sld [smem:$0x3FAB]  }
0x28: {  	s2 =	sld [smem:$0x3FAC]  }
0x29: {  	s4 =	sld [smem:$0x3FAE]  }
0x2a: {  	p0 =	seq.s32 s5, $0x0;
	s5 =	sld [smem:$0x3FAF]  }
0x2b: {  	s6 =	sld [smem:$0x3FB0]  }
0x2c: {  	s7 =	sld [smem:$0x3FB1]  }
0x2d: {  	s3 =	simm.s32 $0x108;
	s8 =	sld [smem:$0x3FB2]  }
0x2e: {  	s3 =	simm.s32 @!p0 $0x1082;
	s9 =	sld [smem:$0x3FB3]  }
0x2f: {  	lr =	sadd.s32 s0, s3;
	s0 =	sld [smem:$0x3FAA]  }
0x30: {  	s3 =	sld [smem:$0x3FAD]  }
0x31: {  	[smem:$0x3FB6] =	sst s10  }
0x32: {  	s10 =	sld [smem:$0x3FB4];
	_ =	sdelay $0x3  }
0x33: {  	p0 =	seq.s32 s10, $0x1;
	s10 =	sld [smem:$0x3FB6];
	_ =	sdelay $0x3  }
0x34: {  	[smem:$0x3FB6] =	sst s10  }
0x35: {  	s10 =	sld [smem:$0x3FB5];
	_ =	sdelay $0x3  }
0x36: {  	p1 =	seq.s32 s10, $0x1;
	s10 =	sld [smem:$0x3FB6];
	_ =	sdelay $0x3  }
0x37: {  	[smem:$0x3FB6] =	sst s10  }
0x38: {  	s10 =	sld [smem:$0x3FB7]  }
0x39: {  	_ = 	snop;
	(pc) =	sbr.ind lr, $3  }
0x3a: {  	_ = 	snop  }
0x3b: {  	_ = 	snop  }
0x3c: {  	p2 =	seq.s32 s10, $0x1;
	s10 =	sld [smem:$0x3FB6]  }
0x3d: {  	_ =	shalt  }
0x3e: {  	_ =	shalt  }
0x3f: {  	_ =	shalt  }
0x40: {  	_ =	shalt  }
0x41: {  	_ =	shalt  }
0x42: {  	_ =	shalt  }
0x43: {  	_ =	shalt  }
0x44: {  	_ =	shalt  }
0x45: {  	_ =	shalt  }
0x46: {  	_ =	shalt  }
0x47: {  	_ =	shalt  }
0x48: {  	_ =	shalt  }
0x49: {  	_ =	shalt  }
0x4a: {  	_ =	shalt  }
0x4b: {  	_ =	shalt  }
0x4c: {  	_ =	shalt  }
0x4d: {  	_ =	shalt  }
0x4e: {  	_ =	shalt  }
0x4f: {  	_ =	shalt  }
0x50: {  	_ =	shalt  }
0x51: {  	_ =	shalt  }
0x52: {  	_ =	shalt  }
0x53: {  	_ =	shalt  }
0x54: {  	_ =	shalt  }
0x55: {  	_ =	shalt  }
0x56: {  	_ =	shalt  }
0x57: {  	_ =	shalt  }
0x58: {  	_ =	shalt  }
0x59: {  	_ =	shalt  }
0x5a: {  	_ =	shalt  }
0x5b: {  	_ =	shalt  }
0x5c: {  	_ =	shalt  }
0x5d: {  	_ =	shalt  }
0x5e: {  	_ =	shalt  }
0x5f: {  	_ =	shalt  }
0x60: {  	_ =	shalt  }
0x61: {  	_ =	shalt  }
0x62: {  	_ =	shalt  }
0x63: {  	_ =	shalt  }
0x64: {  	_ =	shalt  }
0x65: {  	_ =	shalt  }
0x66: {  	_ =	shalt  }
0x67: {  	_ =	shalt  }
0x68: {  	_ =	shalt  }
0x69: {  	_ =	shalt  }
0x6a: {  	_ =	shalt  }
0x6b: {  	_ =	shalt  }
0x6c: {  	_ =	shalt  }
0x6d: {  	_ =	shalt  }
0x6e: {  	_ =	shalt  }
0x6f: {  	_ =	shalt  }
0x70: {  	_ =	shalt  }
0x71: {  	_ =	shalt  }
0x72: {  	_ =	shalt  }
0x73: {  	_ =	shalt  }
0x74: {  	_ =	shalt  }
0x75: {  	_ =	shalt  }
0x76: {  	_ =	shalt  }
0x77: {  	_ =	shalt  }
0x78: {  	_ =	shalt  }
0x79: {  	_ =	shalt  }
0x7a: {  	_ =	shalt  }
0x7b: {  	_ =	shalt  }
0x7c: {  	_ =	shalt  }
0x7d: {  	_ =	shalt  }
0x7e: {  	_ =	shalt  }
0x7f: {  	_ =	shalt  }
0x80: {  	_ =	shalt  }
0x81: {  	_ =	shalt  }
0x82: {  	_ =	shalt  }
0x83: {  	_ =	shalt  }
0x84: {  	_ =	shalt  }
0x85: {  	_ =	shalt  }
0x86: {  	_ =	shalt  }
0x87: {  	_ =	shalt  }
.Lfunc_end0:
.L_simem_size_0:
called_computation.1_lowered:
.L_overlay_start_0:
0x88: {  	s2 =	sld [smem:$0x3FD9]  }
0x89: {  	s3 =	sld [smem:$0x3FFE];
	_ =	sdelay $0x1  }
0x8a: {  	s1 =	srdreg.scid  }
0x8b: {  	s0 =	sand.u32 $0x1, s1  }
0x8c: {  	s17 =	sshll.u32 s0, $0xA;
	s2 =	sadd.s32 s3, s2  }
0x8d: {  	s2 =	sadd.s32 s2, s17  }
0x8e: {  	[smem:$0x3FC2] =	sst s2  }
0x8f: {  	_ = 	snop  }
0x90: {  	s2 =	sld [smem:$0x3FD0];
	(tm) =	ssettm $0x1  }
0x91: {  	s18 =	sld [smem:$0x3FFB];
	_ =	sdelay $0x3  }
0x92: {  	_ =	strace s18  }
0x93: {  	s3 =	sld [smem:$0x3FFC];
	_ =	sdelay $0x3  }
0x94: {  	_ =	strace s3  }
0x95: {  	s3 =	sld [smem:$0x3FFD];
	_ =	sdelay $0x3  }
0x96: {  	_ =	strace s3  }
0x97: {  	_ =	strace $0x8FFFFFFF  }
0x98: {  	s19 =	sld [smem:$0x3FDB];
	_ =	sdelay $0x1  }
0x99: {  	s4 =	simm.s32 $_scs_section_size  }
0x9a: {  	s5 =	simm.s32 $_size__tile_overlayer_lowered;
	s6 =	simm.s32 $_tile_overlayer_lowered  }
0x9b: {  	s22 =	simm.s32 $0x1BFF;
	s21 =	sshll.u32 s6, $0x1;
	s3 =	sadd.s32 s4, s19  }
0x9c: {  	s7 =	simm.s32 $0x0;
	s20 =	sshll.u32 s5, $0x1;
	s5 =	sadd.s32 s21, s3  }
0x9d: {  	[timem:s7], [sflag:s22] =	dma.local [hbm:s5], s20  }
0x9e: {  	_ =	swait.ge [sflag:s22], s20  }
0x9f: {  	s4 =	ssub.s32 $0x0, s20;
	[sflag:s22] =	ssyncset.done $0x0  }
0xa0: {  	[sflag:s22] =	ssyncadd.s32 s4;
	_ =	sdelay $0x1  }
0xa1: {  	s23 =	simm.s32 $0x1B8B  }
0xa2: {  	_ =	swait.ge [sflag:s23], $0x1  }
0xa3: {  	[sflag:s23] =	ssyncset.done $0x0  }
0xa4: {  	s25 =	simm.s32 $0x1B8E;
	s24 =	sld [smem:$0x3FFE];
	[sflag:s23] =	ssyncadd.s32 $0xFFFFFFFF  }
0xa5: {  	s26 =	simm.s32 $execute0_lowered;
	[smem:$0x3FD2] =	sst s25  }
0xa6: {  	s5 =	sshll.u32 s26, $0x1;
	_ =	strace $0x80000046;
	[dreg:$0x1] =	wrdreg $0xFFFFFFFF  }
0xa7: {  	s28 =	simm.s32 $_size_execute0_lowered;
	s3 =	sadd.s32 s3, s5;
	[dreg:$0x0] =	wrdreg $0x0  }
0xa8: {  	s5 =	sshll.u32 s28, $0x1;
	[dreg:$0x2] =	wrdreg s3  }
0xa9: {  	[dreg:$0x3] =	wrdreg s5  }
0xaa: {  	[dreg:$0x4] =	wrdreg $0xC0  }
0xab: {  	_ =	task [dreg:s7], $0x5FFFF  }
0xac: {  	[dreg:$0x1] =	wrdreg $0xFFFFFFFF  }
0xad: {  	[dreg:$0x0] =	wrdreg $0x60  }
0xae: {  	[dreg:$0x2] =	wrdreg s2  }
0xaf: {  	[dreg:$0x3] =	wrdreg s24  }
0xb0: {  	[dreg:$0x4] =	wrdreg $0xA  }
0xb1: {  	_ =	task.clear_ibuf [dreg:s7], $0x5FFFF;
	_ =	strace $0x90000046  }
0xb2: {  	s29 =	simm.s32 $0xA;
	_ =	strace $0x80000048  }
0xb3: {  	_ =	swait.ge [sflag:s29], $0x1  }
0xb4: {  	[sflag:s29] =	ssyncadd.s32 $0xFFFFFFFF  }
0xb5: {  	_ =	strace $0x90000048  }
0xb6: {  	_ =	sfence  }
0xb7: {  	s30 =	sld [smem:$0x0];
	_ =	sdelay $0x2  }
0xb8: {  	s31 =	sshll.u32 s1, $0xD;
	s1 =	sshrl.u32 s1, $0x2  }
0xb9: {  	s3 =	sand.u32 $0x4000, s31;
	s1 =	sadd.s32 s1, s30  }
0xba: {  	s0 =	sor.u32 s3, s0;
	s1 =	sshll.u32 s1, $0x11  }
0xbb: {  	s0 =	sor.u32 s1, s0  }
0xbc: {  	s0 =	sadd.s32 $0x8F2B, s0  }
0xbd: {  	[sflag:s0] =	ssyncadd.remote.s32 $0x1  }
0xbe: {  	_ =	sfence.sel $0xFFFF  }
0xbf: {  	[dreg:$0x0] =	wrdreg $0xFFFFFFFF;
	(pc) =	sbr.abs _section_cstart, $3  }
0xc0: {  	[dreg:$0x1] =	wrdreg $0xFFFFFFFF  }
0xc1: {  	_ =	task.clear_ibuf [dreg:s7], $0x2FFFF;
	_ =	strace $0x9FFFFFFF  }
0xc2: {  	(tm) =	ssettm $0x7FFFFFFF  }
0xc3: {  	_ =	shalt  }
tec
execute0_lowered:
.L_overlay_start_1:
0x0: {  	(tag) =	ssettag $0x1  }
0x1: {  	s2 =	rddreg [dreg:$0x0]  }
0x2: {  	s7 =	rddreg [dreg:$0x1]  }
0x3: {  	s0 =	rddreg [dreg:$0x2]  }
0x4: {  	s1 =	srdreg.scid;
	_ =	strace $0x80000047;
	s4 =	simm.s32 $0x1  }
0x5: {  	s9 =	simm.s32 $0x3;
	s12 =	simm.s32 $0x0;
	s5 =	sshll.u32 s1, $0x4  }
.Ltmp0:
0x6: {  	s1 =	stileid.u32;
	s5 =	sand.u32 $0x10, s5;
	(pc) =	sbr.rel .LBB2_1-.Ltmp0, $4  }
0x7: {  	s10 =	simm.s32 $0x0;
	s3 =	sadd.s32 $0x9C00, s7;
	s6 =	sor.u32 s1, s5  }
0x8: {  	[sflag:s4] =	ssyncpa.u1 $0x0;
	s5 =	simm.s32 $0x2;
	s6 =	sshll.u32 s6, $0x6  }
0x9: {  	s7 =	sadd.s32 $0x9E00, s7;
	[sflag:s5] =	ssyncpa.u1 $0x0;
	s8 =	sadd.s32 $0x40, s6  }
0xa: {  	vm0 =	vmmov $0xff;
	vm1 =	vcmask $0x3F20;
	[sflag:s9] =	ssyncpa.u1 $0x0;
	s9 =	simm.s32 $0x40;
	s11 =	smov.u32 s6  }
.LBB2_9:
0xb: {  	p0 =	seq.s32 s10, $0x2  }
.Ltmp1:
0xc: {  	_ = 	snop;
	(pc) =	sbr.rel @p0 .LBB2_11-.Ltmp1, $1  }
0xd: {  	_ =	sdelay $0x3  }
.LBB2_10:
0xe: {  	s12 =	sadd.s32 $0x40, s11  }
0xf: {  	s13 =	smov.u32 s6;
	p0 =	slt.s32 s12, s8  }
0x10: {  	s13 =	smov.u32 @p0 s12  }
0x11: {  	s10 =	sadd.s32 $0x1, s10;
	s12 =	smov.u32 s11;
	s11 =	smov.u32 s13  }
.LBB2_1:
0x12: {  	p0 =	sne.s32 s10, $0x0  }
.Ltmp2:
0x13: {  	_ = 	snop;
	(pc) =	sbr.rel @!p0 .LBB2_2-.Ltmp2, $1  }
0x14: {  	_ =	sdelay $0x3  }
0x15: {  	s13 =	sand.u32 $0x1, s10  }
0x16: {  	p0 =	seq.s32 s13, $0x0  }
.Ltmp3:
0x17: {  	_ = 	snop;
	(pc) =	sbr.rel @p0 .LBB2_9-.Ltmp3, $1  }
0x18: {  	_ =	sdelay $0x3  }
0x19: {  	_ =	swait.ge [sflag:s5], $0x40  }
0x1a: {  	[sflag:s5] =	ssyncset.done $0x0  }
0x1b: {  	s13 =	simm.s32 $0x0;
	[sflag:s5] =	ssyncadd.s32 $0xFFFFFFC0  }
0x1c: {  	v0 =	vld.msk [tilespmem:s13+$0x40 ss:$0x1], $0xffff;
	_ =	sdelay $0x4  }
0x1d: {  	vm2 =	vgt.s32 v0, $0x0  }
0x1e: {  	v0 =	vnsel vm2, $0x0, v0  }
0x1f: {  	v0 =	vmin.u32 v0, $0x7FF  }
0x20: {  	v0 =	vshll.u32 v0, $0x4;
	_ =	sdelay $0x3  }
0x21: {  	s13 =	simm.s32 $0x2080  }
0x22: {  	[tilespmem:s13], [sflag:$0x1] =	stream.indirect_vreg.gather [hbm:s2], $0x80, v0, vm0, $0x38;
	[tilespmem:$0x4080] =	vst v63  }
0x23: {  	s14 =	simm.s32 $0x2480;
	s31 =	simm.s32 $0x10  }
0x24: {  	[tilespmem:s14], [sflag:$0x1] =	stream.indirect_vreg.gather [hbm:s2], $0x80, v0, vm1, $0x38;
	[tilespmem:$0x4080] =	vst v63  }
0x25: {  	s14 =	simm.s32 $0x80;
	v0 =	vld.msk [tilespmem:s31+$0x40 ss:$0x1], $0xffff  }
.LBB2_5:
0x26: {  	p0 =	sne.s32 s14, $0xC0;
	_ =	sdelay $0x4  }
0x27: {  	vm2 =	vgt.s32 v0, $0x0  }
0x28: {  	v0 =	vnsel vm2, $0x0, v0  }
0x29: {  	v0 =	vmin.u32 v0, $0x7FF  }
0x2a: {  	v0 =	vshll.u32 v0, $0x4;
	_ =	sdelay $0x3  }
.Ltmp4:
0x2b: {  	s13 =	sadd.s32 $0x800, s13;
	(pc) =	sbr.rel @p0 .LBB2_5-.Ltmp4, $4  }
0x2c: {  	[tilespmem:s13], [sflag:$0x1] =	stream.indirect_vreg.gather [hbm:s2], $0x80, v0, vm0, $0x38;
	[tilespmem:$0x4080] =	vst v63  }
0x2d: {  	s15 =	sshra.s32 s14, $0x2;
	s16 =	sadd.s32 $0x400, s13  }
0x2e: {  	[tilespmem:s16], [sflag:$0x1] =	stream.indirect_vreg.gather [hbm:s2], $0x80, v0, vm1, $0x38;
	[tilespmem:$0x4080] =	vst v63  }
0x2f: {  	s14 =	sadd.s32 $0x40, s14;
	v0 =	vld.msk [tilespmem:s15+$0x40 ss:$0x1], $0xffff  }
0x30: {  	_ =	sdelay $0x3  }
0x31: {  	vm2 =	vgt.s32 v0, $0x0  }
0x32: {  	v0 =	vnsel vm2, $0x0, v0  }
0x33: {  	v0 =	vmin.u32 v0, $0x7FF  }
0x34: {  	v0 =	vshll.u32 v0, $0x4;
	_ =	sdelay $0x3  }
0x35: {  	s13 =	sadd.s32 $0x800, s13  }
0x36: {  	[tilespmem:s13], [sflag:$0x1] =	stream.indirect_vreg.gather [hbm:s2], $0x80, v0, vm0, $0x38;
	[tilespmem:$0x4080] =	vst v63  }
0x37: {  	s13 =	sadd.s32 $0x400, s13  }
0x38: {  	[tilespmem:s13], [sflag:$0x1] =	stream.indirect_vreg.gather [hbm:s2], $0x80, v0, vm1, $0x38;
	[tilespmem:$0x4080] =	vst v63  }
0x39: {  	s12 =	sshll.u32 s12, $0x4;
	s14 =	simm.s32 $0x80;
	_ =	swait.ge [sflag:s4], $0x2000  }
0x3a: {  	s15 =	simm.s32 $0x2480;
	s12 =	sadd.s32 s12, s7;
	[sflag:s4] =	ssyncset.done $0x0  }
0x3b: {  	s16 =	sadd.s32 $0x0, s12;
	s13 =	simm.s32 $0x2080;
	[sflag:s4] =	ssyncadd.s32 $0xFFFFE000  }
.LBB2_7:
0x3c: {  	[hbm:s16] =	stream.linear.scatter [tilespmem:s13], [sflag:$0x3], $0x400, $0x38;
	[tilespmem:$0x4080] =	vst v63  }
0x3d: {  	s16 =	smov.u32 s14;
	s13 =	smov.u32 s15;
	p0 =	sne.s32 s14, $0x380  }
.Ltmp5:
0x3e: {  	s14 =	sadd.s32 $0x80, s14;
	(pc) =	sbr.rel @p0 .LBB2_7-.Ltmp5, $2  }
0x3f: {  	_ =	sdelay $0x2  }
0x40: {  	s15 =	sadd.s32 $0x400, s15;
	s16 =	sadd.s32 s16, s12  }
.Ltmp6:
0x41: {  	(pc) =	sbr.rel .LBB2_9-.Ltmp6, $2  }
0x42: {  	_ =	sdelay $0x2  }
0x43: {  	[hbm:s16] =	stream.linear.scatter [tilespmem:s13], [sflag:$0x3], $0x400, $0x38;
	[tilespmem:$0x4080] =	vst v63  }
.LBB2_2:
.Ltmp7:
0x44: {  	(pc) =	sbr.rel .LBB2_10-.Ltmp7, $4  }
0x45: {  	_ = 	snop  }
0x46: {  	s12 =	sshrl.u32 s11, $0x3  }
0x47: {  	s13 =	sand.u32 $0x7, s11;
	s12 =	sadd.s32 s3, s12  }
0x48: {  	[tilespmem:s9], [sflag:$0x2] =	stream.linear.gather [hbm4b:s12+s13], $0x40, $0x38;
	[tilespmem:$0x4080] =	vst v63  }
.LBB2_11:
0x49: {  	s2 =	simm.s32 $0x3  }
0x4a: {  	_ =	swait.ge [sflag:s2], $0x2000  }
0x4b: {  	[sflag:s2] =	ssyncset.done $0x0  }
0x4c: {  	[sflag:s2] =	ssyncadd.s32 $0xFFFFE000  }
0x4d: {  	_ =	sfence.sel $0x180000  }
0x4e: {  	s3 =	simm.s32 $0x2;
	[bflag:$0x0] =	sbarrier.arrive $0xFFFF  }
0x4f: {  	[sflag:s3] =	ssyncpa.u1 $0x1  }
0x50: {  	s31 =	simm.s32 $0x1;
	[sflag:s2] =	ssyncpa.u1 $0x1  }
0x51: {  	[sflag:s31] =	ssyncpa.u1 $0x1  }
0x52: {  	p0 =	sne.s32 s1, $0x0;
	_ =	strace $0x90000047  }
0x53: {  	s0 =	sadd.s32 @!p0 $0x100000, s0;
	[bflag:$0x2] =	sbarrier.arrive $0xFFFF  }
0x54: {  	[sflag:s0] =	ssyncadd.tile.s32 @!p0 $0x1;
	_ =	shalt  }
.Lfunc_end2:
_tile_overlayer_lowered:
.L_overlay_start_2:
0x55: {  	(tag) =	ssettag $0x2  }
0x56: {  	s0 =	rddreg [dreg:$0x0];
	s2 =	stileid.u32  }
0x57: {  	s1 =	rddreg [dreg:$0x1];
	p0 =	sne.s32 s2, $0x0  }
0x58: {  	s3 =	rddreg [dreg:$0x2];
	[bflag:$0x3] =	sbarrier.arrive $0xFFFF;
	s2 =	simm.s32 @!p0 $0x1C01  }
0x59: {  	[timem:s3], [sflag:s2] =	dma.local @!p0 [hbm:s0], s1  }
0x5a: {  	s0 =	simm.s32 @!p0 $0x1  }
0x5b: {  	_ =	swait.ge @!p0 [sflag:s0], s1  }
0x5c: {  	s1 =	ssub.s32 @!p0 $0x0, s1;
	[sflag:s0] =	ssyncset.done @!p0 $0x0  }
0x5d: {  	[sflag:s0] =	ssyncadd.s32 @!p0 s1  }
0x5e: {  	[bflag:$0x3] =	sbarrier.arrive $0xFFFF  }
0x5f: {  	_ =	shalt  }

// kernel: gather_offload_async_start
scs
__scs_entry_jumppad:
0x0: {  	(pc) =	sbr.rel $0x88, $3  }
0x1: {  	(tag) =	ssettag $0x0;
	lr =	simm.s32 $0x1  }
0x2: {  	[smem:$0x3F9B] =	sst lr;
	_ =	strace $0xD0000000  }
0x3: {  	_ = 	snop  }
0x4: {  	_ = 	snop  }
0x5: {  	_ = 	snop  }
0x6: {  	_ = 	snop  }
0x7: {  	_ = 	snop  }
__scs_overlays_trampoline_lowered:
0x8: {  	[smem:$0x3FAA] =	sst s0  }
0x9: {  	[smem:$0x3FAB] =	sst s1  }
0xa: {  	[smem:$0x3FAC] =	sst s2  }
0xb: {  	[smem:$0x3FAD] =	sst s3  }
0xc: {  	[smem:$0x3FAE] =	sst s4  }
0xd: {  	[smem:$0x3FAF] =	sst s5  }
0xe: {  	[smem:$0x3FB0] =	sst s6  }
0xf: {  	[smem:$0x3FB1] =	sst s7  }
0x10: {  	[smem:$0x3FB2] =	sst s8  }
0x11: {  	[smem:$0x3FB3] =	sst s9;
	s0 =	simm.s32 @!p0 $0x0  }
0x12: {  	s1 =	sld [smem:$0x3F99];
	s0 =	simm.s32 @p0 $0x1  }
0x13: {  	[smem:$0x3FB4] =	sst s0;
	s0 =	simm.s32 @!p1 $0x0  }
0x14: {  	s2 =	sld [smem:$0x3F98];
	s0 =	simm.s32 @p1 $0x1  }
0x15: {  	[smem:$0x3FB5] =	sst s0;
	s0 =	simm.s32 @!p2 $0x0  }
0x16: {  	s3 =	sld [smem:$0x3FDB];
	s0 =	simm.s32 @p2 $0x1  }
0x17: {  	s4 =	simm.s32 $0x1BF5;
	[smem:$0x3FB7] =	sst s0  }
0x18: {  	s0 =	sld [smem:$0x3F9A];
	_ =	swait.ge [sflag:s4], $0x0  }
0x19: {  	s7 =	sld [smem:$0x3F9B]  }
0x1a: {  	s8 =	sadd.s32 $0xFFFFE003, lr  }
0x1b: {  	s9 =	sadd.s32 $0xFFFFFEF7, lr;
	s5 =	simm.s32 $0xFFFFFFFF;
	p2 =	slt.u32 s8, $0xFFFFF086  }
0x1c: {  	p1 =	slt.u32 s9, $0xF7A;
	s5 =	simm.s32 @!p2 $0x0  }
0x1d: {  	s5 =	simm.s32 @p1 $0x1;
	p0 =	seq.s32 s7, s2  }
0x1e: {  	s7 =	smul.u32 @!p0 $0xF7A, s2;
	p2 =	seq.s32 @!p0 s5, $0x0  }
0x1f: {  	s9 =	smul.u32 $0xF7A, s1;
	s8 =	simm.s32 @!p0 $0x1BF5;
	p2 =	por !p2, p0  }
0x20: {  	[sflag:s8] =	ssyncset.s32 @!p0 $0xFFFFF086;
	s6 =	sadd.s32 @!p0 s3, s7;
	s7 =	simm.s32 @!p0 $0x108  }
0x21: {  	s3 =	sadd.s32 s3, s9;
	s6 =	sadd.s32 @!p0 $0x88, s6;
	s7 =	simm.s32 @p2 $0x1082  }
0x22: {  	[simem:s7], [sflag:s8] =	dma.local @!p0 [hbm:s6], $0xF7A  }
0x23: {  	s9 =	sor.u32 $0xD0000000, s2;
	s6 =	simm.s32 $0x108;
	_ =	swait.ge @!p0 [sflag:s8], $0x0  }
0x24: {  	s3 =	sadd.s32 $0x88, s3;
	s6 =	simm.s32 @!p1 $0x1082;
	[sflag:s4] =	ssyncset.s32 $0xFFFFF086  }
0x25: {  	[simem:s6], [sflag:s4] =	dma.local [hbm:s3], $0xF7A  }
0x26: {  	[smem:$0x3F9B] =	sst s1;
	(tag) =	ssettag s2;
	_ =	strace s9  }
0x27: {  	s1 =	sld [smem:$0x3FAB]  }
0x28: {  	s2 =	sld [smem:$0x3FAC]  }
0x29: {  	s4 =	sld [smem:$0x3FAE]  }
0x2a: {  	p0 =	seq.s32 s5, $0x0;
	s5 =	sld [smem:$0x3FAF]  }
0x2b: {  	s6 =	sld [smem:$0x3FB0]  }
0x2c: {  	s7 =	sld [smem:$0x3FB1]  }
0x2d: {  	s3 =	simm.s32 $0x108;
	s8 =	sld [smem:$0x3FB2]  }
0x2e: {  	s3 =	simm.s32 @!p0 $0x1082;
	s9 =	sld [smem:$0x3FB3]  }
0x2f: {  	lr =	sadd.s32 s0, s3;
	s0 =	sld [smem:$0x3FAA]  }
0x30: {  	s3 =	sld [smem:$0x3FAD]  }
0x31: {  	[smem:$0x3FB6] =	sst s10  }
0x32: {  	s10 =	sld [smem:$0x3FB4];
	_ =	sdelay $0x3  }
0x33: {  	p0 =	seq.s32 s10, $0x1;
	s10 =	sld [smem:$0x3FB6];
	_ =	sdelay $0x3  }
0x34: {  	[smem:$0x3FB6] =	sst s10  }
0x35: {  	s10 =	sld [smem:$0x3FB5];
	_ =	sdelay $0x3  }
0x36: {  	p1 =	seq.s32 s10, $0x1;
	s10 =	sld [smem:$0x3FB6];
	_ =	sdelay $0x3  }
0x37: {  	[smem:$0x3FB6] =	sst s10  }
0x38: {  	s10 =	sld [smem:$0x3FB7]  }
0x39: {  	_ = 	snop;
	(pc) =	sbr.ind lr, $3  }
0x3a: {  	_ = 	snop  }
0x3b: {  	_ = 	snop  }
0x3c: {  	p2 =	seq.s32 s10, $0x1;
	s10 =	sld [smem:$0x3FB6]  }
0x3d: {  	_ =	shalt  }
0x3e: {  	_ =	shalt  }
0x3f: {  	_ =	shalt  }
0x40: {  	_ =	shalt  }
0x41: {  	_ =	shalt  }
0x42: {  	_ =	shalt  }
0x43: {  	_ =	shalt  }
0x44: {  	_ =	shalt  }
0x45: {  	_ =	shalt  }
0x46: {  	_ =	shalt  }
0x47: {  	_ =	shalt  }
0x48: {  	_ =	shalt  }
0x49: {  	_ =	shalt  }
0x4a: {  	_ =	shalt  }
0x4b: {  	_ =	shalt  }
0x4c: {  	_ =	shalt  }
0x4d: {  	_ =	shalt  }
0x4e: {  	_ =	shalt  }
0x4f: {  	_ =	shalt  }
0x50: {  	_ =	shalt  }
0x51: {  	_ =	shalt  }
0x52: {  	_ =	shalt  }
0x53: {  	_ =	shalt  }
0x54: {  	_ =	shalt  }
0x55: {  	_ =	shalt  }
0x56: {  	_ =	shalt  }
0x57: {  	_ =	shalt  }
0x58: {  	_ =	shalt  }
0x59: {  	_ =	shalt  }
0x5a: {  	_ =	shalt  }
0x5b: {  	_ =	shalt  }
0x5c: {  	_ =	shalt  }
0x5d: {  	_ =	shalt  }
0x5e: {  	_ =	shalt  }
0x5f: {  	_ =	shalt  }
0x60: {  	_ =	shalt  }
0x61: {  	_ =	shalt  }
0x62: {  	_ =	shalt  }
0x63: {  	_ =	shalt  }
0x64: {  	_ =	shalt  }
0x65: {  	_ =	shalt  }
0x66: {  	_ =	shalt  }
0x67: {  	_ =	shalt  }
0x68: {  	_ =	shalt  }
0x69: {  	_ =	shalt  }
0x6a: {  	_ =	shalt  }
0x6b: {  	_ =	shalt  }
0x6c: {  	_ =	shalt  }
0x6d: {  	_ =	shalt  }
0x6e: {  	_ =	shalt  }
0x6f: {  	_ =	shalt  }
0x70: {  	_ =	shalt  }
0x71: {  	_ =	shalt  }
0x72: {  	_ =	shalt  }
0x73: {  	_ =	shalt  }
0x74: {  	_ =	shalt  }
0x75: {  	_ =	shalt  }
0x76: {  	_ =	shalt  }
0x77: {  	_ =	shalt  }
0x78: {  	_ =	shalt  }
0x79: {  	_ =	shalt  }
0x7a: {  	_ =	shalt  }
0x7b: {  	_ =	shalt  }
0x7c: {  	_ =	shalt  }
0x7d: {  	_ =	shalt  }
0x7e: {  	_ =	shalt  }
0x7f: {  	_ =	shalt  }
0x80: {  	_ =	shalt  }
0x81: {  	_ =	shalt  }
0x82: {  	_ =	shalt  }
0x83: {  	_ =	shalt  }
0x84: {  	_ =	shalt  }
0x85: {  	_ =	shalt  }
0x86: {  	_ =	shalt  }
0x87: {  	_ =	shalt  }
.Lfunc_end0:
.L_simem_size_0:
called_computation_lowered:
.L_overlay_start_0:
0x88: {  	s2 =	sld [smem:$0x3FD9]  }
0x89: {  	s3 =	sld [smem:$0x3FFE];
	_ =	sdelay $0x1  }
0x8a: {  	s1 =	srdreg.scid  }
0x8b: {  	s0 =	sand.u32 $0x1, s1  }
0x8c: {  	s17 =	sshll.u32 s0, $0xA;
	s2 =	sadd.s32 s3, s2  }
0x8d: {  	s2 =	sadd.s32 s2, s17  }
0x8e: {  	[smem:$0x3FC2] =	sst s2  }
0x8f: {  	_ = 	snop  }
0x90: {  	(tm) =	ssettm $0x1  }
0x91: {  	s18 =	sld [smem:$0x3FFB];
	_ =	sdelay $0x3  }
0x92: {  	_ =	strace s18  }
0x93: {  	s2 =	sld [smem:$0x3FFC];
	_ =	sdelay $0x3  }
0x94: {  	_ =	strace s2  }
0x95: {  	s2 =	sld [smem:$0x3FFD];
	_ =	sdelay $0x3  }
0x96: {  	_ =	strace s2  }
0x97: {  	_ =	strace $0x8FFFFFFF  }
0x98: {  	s19 =	sld [smem:$0x3FDB];
	_ =	sdelay $0x1  }
0x99: {  	s20 =	simm.s32 $_scs_section_size  }
0x9a: {  	s4 =	simm.s32 $_size__tile_overlayer_lowered;
	s5 =	simm.s32 $_tile_overlayer_lowered  }
0x9b: {  	s6 =	simm.s32 $0x1BFF;
	s21 =	sshll.u32 s5, $0x1;
	s3 =	sadd.s32 s20, s19  }
0x9c: {  	s22 =	simm.s32 $0x0;
	s4 =	sshll.u32 s4, $0x1;
	s5 =	sadd.s32 s21, s3  }
0x9d: {  	[timem:s22], [sflag:s6] =	dma.local [hbm:s5], s4  }
0x9e: {  	_ =	swait.ge [sflag:s6], s4  }
0x9f: {  	s4 =	ssub.s32 $0x0, s4;
	[sflag:s6] =	ssyncset.done $0x0  }
0xa0: {  	[sflag:s6] =	ssyncadd.s32 s4;
	_ =	sdelay $0x1  }
0xa1: {  	s23 =	simm.s32 $0x1B8B  }
0xa2: {  	_ =	swait.ge [sflag:s23], $0x1  }
0xa3: {  	[sflag:s23] =	ssyncset.done $0x0  }
0xa4: {  	[sflag:s23] =	ssyncadd.s32 $0xFFFFFFFF  }
0xa5: {  	s4 =	sld [smem:$0x0]  }
0xa6: {  	s5 =	sand.u32 $0xFFFFFFFE, s1  }
0xa7: {  	p0 =	sne.s32 s1, s5  }
0xa8: {  	s5 =	sshll.u32 @p0 s5, $0xE  }
0xa9: {  	s5 =	sadd.s32 @p0 $0x11B8D, s5;
	s6 =	sshll.u32 @p0 s4, $0x11  }
0xaa: {  	s5 =	sor.u32 @p0 s6, s5  }
0xab: {  	[sflag:s5] =	ssyncadd.remote.s32 @p0 $0x1;
	_ =	sdelay $0x1  }
0xac: {  	s5 =	simm.s32 @p0 $0x1B8D  }
0xad: {  	_ =	swait.eq @p0 [sflag:s5], $0x1  }
0xae: {  	[sflag:s5] =	ssyncadd.s32 @p0 $0xFFFFFFFF  }
0xaf: {  	s6 =	sshll.u32 @!p0 s1, $0xE  }
0xb0: {  	s6 =	sor.u32 @!p0 $0x4000, s6;
	s5 =	simm.s32 @!p0 $0x1B8D  }
0xb1: {  	s4 =	sshll.u32 @!p0 s4, $0x11;
	s6 =	sadd.s32 @!p0 $0x11B8D, s6;
	_ =	swait.eq @!p0 [sflag:s5], $0x1  }
0xb2: {  	s4 =	sor.u32 @!p0 s4, s6;
	[sflag:s5] =	ssyncadd.s32 @!p0 $0xFFFFFFFF  }
0xb3: {  	s25 =	simm.s32 $0x1B8E;
	s24 =	sld [smem:$0x3FFE];
	[sflag:s4] =	ssyncadd.remote.s32 @!p0 $0x1  }
0xb4: {  	s26 =	simm.s32 $execute0_lowered;
	[smem:$0x3FD2] =	sst s25  }
0xb5: {  	s5 =	sshll.u32 s26, $0x1;
	_ =	strace $0x80000049;
	[dreg:$0x1] =	wrdreg $0xFFFFFFFF  }
0xb6: {  	s28 =	simm.s32 $_size_execute0_lowered;
	s3 =	sadd.s32 s3, s5;
	[dreg:$0x0] =	wrdreg $0x0  }
0xb7: {  	s5 =	sshll.u32 s28, $0x1;
	[dreg:$0x2] =	wrdreg s3  }
0xb8: {  	[dreg:$0x3] =	wrdreg s5  }
0xb9: {  	[dreg:$0x4] =	wrdreg $0xC0  }
0xba: {  	_ =	task [dreg:s22], $0x5FFFF  }
0xbb: {  	[dreg:$0x1] =	wrdreg $0xFFFFFFFF  }
0xbc: {  	[dreg:$0x0] =	wrdreg $0x60  }
0xbd: {  	[dreg:$0x2] =	wrdreg s24  }
0xbe: {  	[dreg:$0x3] =	wrdreg $0x9  }
0xbf: {  	_ =	task.clear_ibuf [dreg:s22], $0x4FFFF;
	_ =	strace $0x90000049  }
0xc0: {  	s29 =	simm.s32 $0x9;
	_ =	strace $0x8000004B  }
0xc1: {  	_ =	swait.ge [sflag:s29], $0x1  }
0xc2: {  	[sflag:s29] =	ssyncadd.s32 $0xFFFFFFFF  }
0xc3: {  	_ =	strace $0x9000004B  }
0xc4: {  	_ =	sfence  }
0xc5: {  	s30 =	sld [smem:$0x0];
	_ =	sdelay $0x2  }
0xc6: {  	s31 =	sshll.u32 s1, $0xD;
	s1 =	sshrl.u32 s1, $0x2  }
0xc7: {  	s4 =	sand.u32 $0x4000, s31;
	s1 =	sadd.s32 s1, s30  }
0xc8: {  	s0 =	sor.u32 s4, s0;
	s1 =	sshll.u32 s1, $0x11  }
0xc9: {  	s0 =	sor.u32 s1, s0  }
0xca: {  	s0 =	sadd.s32 $0x8F2B, s0  }
0xcb: {  	[sflag:s0] =	ssyncadd.remote.s32 $0x1  }
0xcc: {  	_ =	sfence.sel $0xFFFF  }
0xcd: {  	[dreg:$0x0] =	wrdreg $0xFFFFFFFF;
	(pc) =	sbr.abs _section_cstart, $3  }
0xce: {  	[dreg:$0x1] =	wrdreg $0xFFFFFFFF  }
0xcf: {  	_ =	task.clear_ibuf [dreg:s22], $0x2FFFF;
	_ =	strace $0x9FFFFFFF  }
0xd0: {  	(tm) =	ssettm $0x7FFFFFFF  }
0xd1: {  	_ =	shalt  }
tec
execute0_lowered:
.L_overlay_start_1:
0x0: {  	(tag) =	ssettag $0x1  }
0x1: {  	s7 =	rddreg [dreg:$0x0]  }
0x2: {  	s0 =	rddreg [dreg:$0x1];
	_ =	strace $0x8000004A  }
0x3: {  	s1 =	srdreg.scid;
	s4 =	simm.s32 $0x1;
	s9 =	simm.s32 $0x3  }
0x4: {  	s12 =	simm.s32 $0x0;
	s10 =	simm.s32 $0x0;
	s5 =	sshll.u32 s1, $0x4  }
.Ltmp0:
0x5: {  	s1 =	stileid.u32;
	s5 =	sand.u32 $0x10, s5;
	(pc) =	sbr.rel .LBB2_1-.Ltmp0, $4  }
0x6: {  	s2 =	sadd.s32 $0x1C00, s7;
	s3 =	sadd.s32 $0x9C00, s7;
	s6 =	sor.u32 s1, s5  }
0x7: {  	[sflag:s4] =	ssyncpa.u1 $0x0;
	s5 =	simm.s32 $0x2;
	s6 =	sshll.u32 s6, $0x6  }
0x8: {  	s7 =	sadd.s32 $0x11E00, s7;
	[sflag:s5] =	ssyncpa.u1 $0x0;
	s8 =	sadd.s32 $0x40, s6  }
0x9: {  	vm0 =	vmmov $0xff;
	vm1 =	vcmask $0x3F20;
	[sflag:s9] =	ssyncpa.u1 $0x0;
	s9 =	simm.s32 $0x40;
	s11 =	smov.u32 s6  }
.LBB2_9:
0xa: {  	p0 =	seq.s32 s10, $0x2  }
.Ltmp1:
0xb: {  	_ = 	snop;
	(pc) =	sbr.rel @p0 .LBB2_11-.Ltmp1, $1  }
0xc: {  	_ =	sdelay $0x3  }
.LBB2_10:
0xd: {  	s12 =	sadd.s32 $0x40, s11  }
0xe: {  	s13 =	smov.u32 s6;
	p0 =	slt.s32 s12, s8  }
0xf: {  	s13 =	smov.u32 @p0 s12  }
0x10: {  	s10 =	sadd.s32 $0x1, s10;
	s12 =	smov.u32 s11;
	s11 =	smov.u32 s13  }
.LBB2_1:
0x11: {  	p0 =	sne.s32 s10, $0x0  }
.Ltmp2:
0x12: {  	_ = 	snop;
	(pc) =	sbr.rel @!p0 .LBB2_2-.Ltmp2, $1  }
0x13: {  	_ =	sdelay $0x3  }
0x14: {  	s13 =	sand.u32 $0x1, s10  }
0x15: {  	p0 =	seq.s32 s13, $0x0  }
.Ltmp3:
0x16: {  	_ = 	snop;
	(pc) =	sbr.rel @p0 .LBB2_9-.Ltmp3, $1  }
0x17: {  	_ =	sdelay $0x3  }
0x18: {  	_ =	swait.ge [sflag:s5], $0x40  }
0x19: {  	[sflag:s5] =	ssyncset.done $0x0  }
0x1a: {  	s13 =	simm.s32 $0x0;
	[sflag:s5] =	ssyncadd.s32 $0xFFFFFFC0  }
0x1b: {  	v0 =	vld.msk [tilespmem:s13+$0x40 ss:$0x1], $0xffff;
	_ =	sdelay $0x4  }
0x1c: {  	vm2 =	vgt.s32 v0, $0x0  }
0x1d: {  	v0 =	vnsel vm2, $0x0, v0  }
0x1e: {  	v0 =	vmin.u32 v0, $0x7FF  }
0x1f: {  	v0 =	vshll.u32 v0, $0x4;
	_ =	sdelay $0x3  }
0x20: {  	s13 =	simm.s32 $0x2080  }
0x21: {  	[tilespmem:s13], [sflag:$0x1] =	stream.indirect_vreg.gather [hbm:s2], $0x80, v0, vm0, $0x38;
	[tilespmem:$0x4080] =	vst v63  }
0x22: {  	s14 =	simm.s32 $0x2480;
	s31 =	simm.s32 $0x10  }
0x23: {  	[tilespmem:s14], [sflag:$0x1] =	stream.indirect_vreg.gather [hbm:s2], $0x80, v0, vm1, $0x38;
	[tilespmem:$0x4080] =	vst v63  }
0x24: {  	s14 =	simm.s32 $0x80;
	v0 =	vld.msk [tilespmem:s31+$0x40 ss:$0x1], $0xffff  }
.LBB2_5:
0x25: {  	p0 =	sne.s32 s14, $0xC0;
	_ =	sdelay $0x4  }
0x26: {  	vm2 =	vgt.s32 v0, $0x0  }
0x27: {  	v0 =	vnsel vm2, $0x0, v0  }
0x28: {  	v0 =	vmin.u32 v0, $0x7FF  }
0x29: {  	v0 =	vshll.u32 v0, $0x4;
	_ =	sdelay $0x3  }
.Ltmp4:
0x2a: {  	s13 =	sadd.s32 $0x800, s13;
	(pc) =	sbr.rel @p0 .LBB2_5-.Ltmp4, $4  }
0x2b: {  	[tilespmem:s13], [sflag:$0x1] =	stream.indirect_vreg.gather [hbm:s2], $0x80, v0, vm0, $0x38;
	[tilespmem:$0x4080] =	vst v63  }
0x2c: {  	s15 =	sshra.s32 s14, $0x2;
	s16 =	sadd.s32 $0x400, s13  }
0x2d: {  	[tilespmem:s16], [sflag:$0x1] =	stream.indirect_vreg.gather [hbm:s2], $0x80, v0, vm1, $0x38;
	[tilespmem:$0x4080] =	vst v63  }
0x2e: {  	s14 =	sadd.s32 $0x40, s14;
	v0 =	vld.msk [tilespmem:s15+$0x40 ss:$0x1], $0xffff  }
0x2f: {  	_ =	sdelay $0x3  }
0x30: {  	vm2 =	vgt.s32 v0, $0x0  }
0x31: {  	v0 =	vnsel vm2, $0x0, v0  }
0x32: {  	v0 =	vmin.u32 v0, $0x7FF  }
0x33: {  	v0 =	vshll.u32 v0, $0x4;
	_ =	sdelay $0x3  }
0x34: {  	s13 =	sadd.s32 $0x800, s13  }
0x35: {  	[tilespmem:s13], [sflag:$0x1] =	stream.indirect_vreg.gather [hbm:s2], $0x80, v0, vm0, $0x38;
	[tilespmem:$0x4080] =	vst v63  }
0x36: {  	s13 =	sadd.s32 $0x400, s13  }
0x37: {  	[tilespmem:s13], [sflag:$0x1] =	stream.indirect_vreg.gather [hbm:s2], $0x80, v0, vm1, $0x38;
	[tilespmem:$0x4080] =	vst v63  }
0x38: {  	s12 =	sshll.u32 s12, $0x4;
	s14 =	simm.s32 $0x80;
	_ =	swait.ge [sflag:s4], $0x2000  }
0x39: {  	s15 =	simm.s32 $0x2480;
	s12 =	sadd.s32 s12, s7;
	[sflag:s4] =	ssyncset.done $0x0  }
0x3a: {  	s16 =	sadd.s32 $0x0, s12;
	s13 =	simm.s32 $0x2080;
	[sflag:s4] =	ssyncadd.s32 $0xFFFFE000  }
.LBB2_7:
0x3b: {  	[hbm:s16] =	stream.linear.scatter [tilespmem:s13], [sflag:$0x3], $0x400, $0x38;
	[tilespmem:$0x4080] =	vst v63  }
0x3c: {  	s16 =	smov.u32 s14;
	s13 =	smov.u32 s15;
	p0 =	sne.s32 s14, $0x380  }
.Ltmp5:
0x3d: {  	s14 =	sadd.s32 $0x80, s14;
	(pc) =	sbr.rel @p0 .LBB2_7-.Ltmp5, $2  }
0x3e: {  	_ =	sdelay $0x2  }
0x3f: {  	s15 =	sadd.s32 $0x400, s15;
	s16 =	sadd.s32 s16, s12  }
.Ltmp6:
0x40: {  	(pc) =	sbr.rel .LBB2_9-.Ltmp6, $2  }
0x41: {  	_ =	sdelay $0x2  }
0x42: {  	[hbm:s16] =	stream.linear.scatter [tilespmem:s13], [sflag:$0x3], $0x400, $0x38;
	[tilespmem:$0x4080] =	vst v63  }
.LBB2_2:
.Ltmp7:
0x43: {  	(pc) =	sbr.rel .LBB2_10-.Ltmp7, $4  }
0x44: {  	_ = 	snop  }
0x45: {  	s12 =	sshrl.u32 s11, $0x3  }
0x46: {  	s13 =	sand.u32 $0x7, s11;
	s12 =	sadd.s32 s3, s12  }
0x47: {  	[tilespmem:s9], [sflag:$0x2] =	stream.linear.gather [hbm4b:s12+s13], $0x40, $0x38;
	[tilespmem:$0x4080] =	vst v63  }
.LBB2_11:
0x48: {  	s2 =	simm.s32 $0x3  }
0x49: {  	_ =	swait.ge [sflag:s2], $0x2000  }
0x4a: {  	[sflag:s2] =	ssyncset.done $0x0  }
0x4b: {  	[sflag:s2] =	ssyncadd.s32 $0xFFFFE000  }
0x4c: {  	_ =	sfence.sel $0x180000  }
0x4d: {  	s3 =	simm.s32 $0x2;
	[bflag:$0x0] =	sbarrier.arrive $0xFFFF  }
0x4e: {  	[sflag:s3] =	ssyncpa.u1 $0x1  }
0x4f: {  	s31 =	simm.s32 $0x1;
	[sflag:s2] =	ssyncpa.u1 $0x1  }
0x50: {  	[sflag:s31] =	ssyncpa.u1 $0x1  }
0x51: {  	p0 =	sne.s32 s1, $0x0;
	_ =	strace $0x9000004A  }
0x52: {  	s0 =	sadd.s32 @!p0 $0x100000, s0;
	[bflag:$0x2] =	sbarrier.arrive $0xFFFF  }
0x53: {  	[sflag:s0] =	ssyncadd.tile.s32 @!p0 $0x1;
	_ =	shalt  }
.Lfunc_end2:
_tile_overlayer_lowered:
.L_overlay_start_2:
0x54: {  	(tag) =	ssettag $0x2  }
0x55: {  	s0 =	rddreg [dreg:$0x0];
	s2 =	stileid.u32  }
0x56: {  	s1 =	rddreg [dreg:$0x1];
	p0 =	sne.s32 s2, $0x0  }
0x57: {  	s3 =	rddreg [dreg:$0x2];
	[bflag:$0x3] =	sbarrier.arrive $0xFFFF;
	s2 =	simm.s32 @!p0 $0x1C01  }
0x58: {  	[timem:s3], [sflag:s2] =	dma.local @!p0 [hbm:s0], s1  }
0x59: {  	s0 =	simm.s32 @!p0 $0x1  }
0x5a: {  	_ =	swait.ge @!p0 [sflag:s0], s1  }
0x5b: {  	s1 =	ssub.s32 @!p0 $0x0, s1;
	[sflag:s0] =	ssyncset.done @!p0 $0x0  }
0x5c: {  	[sflag:s0] =	ssyncadd.s32 @!p0 s1  }
0x5d: {  	[bflag:$0x3] =	sbarrier.arrive $0xFFFF  }
0x5e: {  	_ =	shalt  }

// kernel: kernel.7.cloned.1.call-start
scs
__scs_entry_jumppad:
0x0: {  	(pc) =	sbr.rel $0x88, $3  }
0x1: {  	(tag) =	ssettag $0x0;
	lr =	simm.s32 $0x1  }
0x2: {  	[smem:$0x3F9B] =	sst lr;
	_ =	strace $0xD0000000  }
0x3: {  	_ = 	snop  }
0x4: {  	_ = 	snop  }
0x5: {  	_ = 	snop  }
0x6: {  	_ = 	snop  }
0x7: {  	_ = 	snop  }
__scs_overlays_trampoline_lowered:
0x8: {  	[smem:$0x3FAA] =	sst s0  }
0x9: {  	[smem:$0x3FAB] =	sst s1  }
0xa: {  	[smem:$0x3FAC] =	sst s2  }
0xb: {  	[smem:$0x3FAD] =	sst s3  }
0xc: {  	[smem:$0x3FAE] =	sst s4  }
0xd: {  	[smem:$0x3FAF] =	sst s5  }
0xe: {  	[smem:$0x3FB0] =	sst s6  }
0xf: {  	[smem:$0x3FB1] =	sst s7  }
0x10: {  	[smem:$0x3FB2] =	sst s8  }
0x11: {  	[smem:$0x3FB3] =	sst s9;
	s0 =	simm.s32 @!p0 $0x0  }
0x12: {  	s1 =	sld [smem:$0x3F99];
	s0 =	simm.s32 @p0 $0x1  }
0x13: {  	[smem:$0x3FB4] =	sst s0;
	s0 =	simm.s32 @!p1 $0x0  }
0x14: {  	s2 =	sld [smem:$0x3F98];
	s0 =	simm.s32 @p1 $0x1  }
0x15: {  	[smem:$0x3FB5] =	sst s0;
	s0 =	simm.s32 @!p2 $0x0  }
0x16: {  	s3 =	sld [smem:$0x3FDB];
	s0 =	simm.s32 @p2 $0x1  }
0x17: {  	s4 =	simm.s32 $0x1BF5;
	[smem:$0x3FB7] =	sst s0  }
0x18: {  	s0 =	sld [smem:$0x3F9A];
	_ =	swait.ge [sflag:s4], $0x0  }
0x19: {  	s7 =	sld [smem:$0x3F9B]  }
0x1a: {  	s8 =	sadd.s32 $0xFFFFE003, lr  }
0x1b: {  	s9 =	sadd.s32 $0xFFFFFEF7, lr;
	s5 =	simm.s32 $0xFFFFFFFF;
	p2 =	slt.u32 s8, $0xFFFFF086  }
0x1c: {  	p1 =	slt.u32 s9, $0xF7A;
	s5 =	simm.s32 @!p2 $0x0  }
0x1d: {  	s5 =	simm.s32 @p1 $0x1;
	p0 =	seq.s32 s7, s2  }
0x1e: {  	s7 =	smul.u32 @!p0 $0xF7A, s2;
	p2 =	seq.s32 @!p0 s5, $0x0  }
0x1f: {  	s9 =	smul.u32 $0xF7A, s1;
	s8 =	simm.s32 @!p0 $0x1BF5;
	p2 =	por !p2, p0  }
0x20: {  	[sflag:s8] =	ssyncset.s32 @!p0 $0xFFFFF086;
	s6 =	sadd.s32 @!p0 s3, s7;
	s7 =	simm.s32 @!p0 $0x108  }
0x21: {  	s3 =	sadd.s32 s3, s9;
	s6 =	sadd.s32 @!p0 $0x88, s6;
	s7 =	simm.s32 @p2 $0x1082  }
0x22: {  	[simem:s7], [sflag:s8] =	dma.local @!p0 [hbm:s6], $0xF7A  }
0x23: {  	s9 =	sor.u32 $0xD0000000, s2;
	s6 =	simm.s32 $0x108;
	_ =	swait.ge @!p0 [sflag:s8], $0x0  }
0x24: {  	s3 =	sadd.s32 $0x88, s3;
	s6 =	simm.s32 @!p1 $0x1082;
	[sflag:s4] =	ssyncset.s32 $0xFFFFF086  }
0x25: {  	[simem:s6], [sflag:s4] =	dma.local [hbm:s3], $0xF7A  }
0x26: {  	[smem:$0x3F9B] =	sst s1;
	(tag) =	ssettag s2;
	_ =	strace s9  }
0x27: {  	s1 =	sld [smem:$0x3FAB]  }
0x28: {  	s2 =	sld [smem:$0x3FAC]  }
0x29: {  	s4 =	sld [smem:$0x3FAE]  }
0x2a: {  	p0 =	seq.s32 s5, $0x0;
	s5 =	sld [smem:$0x3FAF]  }
0x2b: {  	s6 =	sld [smem:$0x3FB0]  }
0x2c: {  	s7 =	sld [smem:$0x3FB1]  }
0x2d: {  	s3 =	simm.s32 $0x108;
	s8 =	sld [smem:$0x3FB2]  }
0x2e: {  	s3 =	simm.s32 @!p0 $0x1082;
	s9 =	sld [smem:$0x3FB3]  }
0x2f: {  	lr =	sadd.s32 s0, s3;
	s0 =	sld [smem:$0x3FAA]  }
0x30: {  	s3 =	sld [smem:$0x3FAD]  }
0x31: {  	[smem:$0x3FB6] =	sst s10  }
0x32: {  	s10 =	sld [smem:$0x3FB4];
	_ =	sdelay $0x3  }
0x33: {  	p0 =	seq.s32 s10, $0x1;
	s10 =	sld [smem:$0x3FB6];
	_ =	sdelay $0x3  }
0x34: {  	[smem:$0x3FB6] =	sst s10  }
0x35: {  	s10 =	sld [smem:$0x3FB5];
	_ =	sdelay $0x3  }
0x36: {  	p1 =	seq.s32 s10, $0x1;
	s10 =	sld [smem:$0x3FB6];
	_ =	sdelay $0x3  }
0x37: {  	[smem:$0x3FB6] =	sst s10  }
0x38: {  	s10 =	sld [smem:$0x3FB7]  }
0x39: {  	_ = 	snop;
	(pc) =	sbr.ind lr, $3  }
0x3a: {  	_ = 	snop  }
0x3b: {  	_ = 	snop  }
0x3c: {  	p2 =	seq.s32 s10, $0x1;
	s10 =	sld [smem:$0x3FB6]  }
0x3d: {  	_ =	shalt  }
0x3e: {  	_ =	shalt  }
0x3f: {  	_ =	shalt  }
0x40: {  	_ =	shalt  }
0x41: {  	_ =	shalt  }
0x42: {  	_ =	shalt  }
0x43: {  	_ =	shalt  }
0x44: {  	_ =	shalt  }
0x45: {  	_ =	shalt  }
0x46: {  	_ =	shalt  }
0x47: {  	_ =	shalt  }
0x48: {  	_ =	shalt  }
0x49: {  	_ =	shalt  }
0x4a: {  	_ =	shalt  }
0x4b: {  	_ =	shalt  }
0x4c: {  	_ =	shalt  }
0x4d: {  	_ =	shalt  }
0x4e: {  	_ =	shalt  }
0x4f: {  	_ =	shalt  }
0x50: {  	_ =	shalt  }
0x51: {  	_ =	shalt  }
0x52: {  	_ =	shalt  }
0x53: {  	_ =	shalt  }
0x54: {  	_ =	shalt  }
0x55: {  	_ =	shalt  }
0x56: {  	_ =	shalt  }
0x57: {  	_ =	shalt  }
0x58: {  	_ =	shalt  }
0x59: {  	_ =	shalt  }
0x5a: {  	_ =	shalt  }
0x5b: {  	_ =	shalt  }
0x5c: {  	_ =	shalt  }
0x5d: {  	_ =	shalt  }
0x5e: {  	_ =	shalt  }
0x5f: {  	_ =	shalt  }
0x60: {  	_ =	shalt  }
0x61: {  	_ =	shalt  }
0x62: {  	_ =	shalt  }
0x63: {  	_ =	shalt  }
0x64: {  	_ =	shalt  }
0x65: {  	_ =	shalt  }
0x66: {  	_ =	shalt  }
0x67: {  	_ =	shalt  }
0x68: {  	_ =	shalt  }
0x69: {  	_ =	shalt  }
0x6a: {  	_ =	shalt  }
0x6b: {  	_ =	shalt  }
0x6c: {  	_ =	shalt  }
0x6d: {  	_ =	shalt  }
0x6e: {  	_ =	shalt  }
0x6f: {  	_ =	shalt  }
0x70: {  	_ =	shalt  }
0x71: {  	_ =	shalt  }
0x72: {  	_ =	shalt  }
0x73: {  	_ =	shalt  }
0x74: {  	_ =	shalt  }
0x75: {  	_ =	shalt  }
0x76: {  	_ =	shalt  }
0x77: {  	_ =	shalt  }
0x78: {  	_ =	shalt  }
0x79: {  	_ =	shalt  }
0x7a: {  	_ =	shalt  }
0x7b: {  	_ =	shalt  }
0x7c: {  	_ =	shalt  }
0x7d: {  	_ =	shalt  }
0x7e: {  	_ =	shalt  }
0x7f: {  	_ =	shalt  }
0x80: {  	_ =	shalt  }
0x81: {  	_ =	shalt  }
0x82: {  	_ =	shalt  }
0x83: {  	_ =	shalt  }
0x84: {  	_ =	shalt  }
0x85: {  	_ =	shalt  }
0x86: {  	_ =	shalt  }
0x87: {  	_ =	shalt  }
.Lfunc_end0:
.L_simem_size_0:
called_computation.2_lowered:
.L_overlay_start_0:
0x88: {  	s2 =	sld [smem:$0x3FD9]  }
0x89: {  	s3 =	sld [smem:$0x3FFE];
	_ =	sdelay $0x1  }
0x8a: {  	s1 =	srdreg.scid  }
0x8b: {  	s0 =	sand.u32 $0x1, s1  }
0x8c: {  	s17 =	sshll.u32 s0, $0xA;
	s2 =	sadd.s32 s3, s2  }
0x8d: {  	s2 =	sadd.s32 s2, s17  }
0x8e: {  	[smem:$0x3FC2] =	sst s2  }
0x8f: {  	_ = 	snop  }
0x90: {  	s2 =	sld [smem:$0x3FD0];
	(tm) =	ssettm $0x1  }
0x91: {  	s18 =	sld [smem:$0x3FFB];
	_ =	sdelay $0x3  }
0x92: {  	_ =	strace s18  }
0x93: {  	s3 =	sld [smem:$0x3FFC];
	_ =	sdelay $0x3  }
0x94: {  	_ =	strace s3  }
0x95: {  	s3 =	sld [smem:$0x3FFD];
	_ =	sdelay $0x3  }
0x96: {  	_ =	strace s3  }
0x97: {  	_ =	strace $0x8FFFFFFF  }
0x98: {  	s19 =	sld [smem:$0x3FDB];
	_ =	sdelay $0x1  }
0x99: {  	s4 =	simm.s32 $_scs_section_size  }
0x9a: {  	s5 =	simm.s32 $_size__tile_overlayer_lowered;
	s6 =	simm.s32 $_tile_overlayer_lowered  }
0x9b: {  	s22 =	simm.s32 $0x1BFF;
	s21 =	sshll.u32 s6, $0x1;
	s3 =	sadd.s32 s4, s19  }
0x9c: {  	s7 =	simm.s32 $0x0;
	s20 =	sshll.u32 s5, $0x1;
	s5 =	sadd.s32 s21, s3  }
0x9d: {  	[timem:s7], [sflag:s22] =	dma.local [hbm:s5], s20  }
0x9e: {  	_ =	swait.ge [sflag:s22], s20  }
0x9f: {  	s4 =	ssub.s32 $0x0, s20;
	[sflag:s22] =	ssyncset.done $0x0  }
0xa0: {  	[sflag:s22] =	ssyncadd.s32 s4;
	_ =	sdelay $0x1  }
0xa1: {  	s23 =	simm.s32 $0x1B8B  }
0xa2: {  	_ =	swait.ge [sflag:s23], $0x1  }
0xa3: {  	[sflag:s23] =	ssyncset.done $0x0  }
0xa4: {  	s25 =	simm.s32 $0x1B8E;
	s24 =	sld [smem:$0x3FFE];
	[sflag:s23] =	ssyncadd.s32 $0xFFFFFFFF  }
0xa5: {  	s26 =	simm.s32 $execute0_lowered;
	[smem:$0x3FD2] =	sst s25  }
0xa6: {  	s5 =	sshll.u32 s26, $0x1;
	_ =	strace $0x8000004C;
	[dreg:$0x1] =	wrdreg $0xFFFFFFFF  }
0xa7: {  	s28 =	simm.s32 $_size_execute0_lowered;
	s3 =	sadd.s32 s3, s5;
	[dreg:$0x0] =	wrdreg $0x0  }
0xa8: {  	s5 =	sshll.u32 s28, $0x1;
	[dreg:$0x2] =	wrdreg s3  }
0xa9: {  	[dreg:$0x3] =	wrdreg s5  }
0xaa: {  	[dreg:$0x4] =	wrdreg $0xC0  }
0xab: {  	_ =	task [dreg:s7], $0x5FFFF  }
0xac: {  	[dreg:$0x1] =	wrdreg $0xFFFFFFFF  }
0xad: {  	[dreg:$0x0] =	wrdreg $0x60  }
0xae: {  	[dreg:$0x2] =	wrdreg s24  }
0xaf: {  	[dreg:$0x3] =	wrdreg s2  }
0xb0: {  	[dreg:$0x4] =	wrdreg $0x9  }
0xb1: {  	_ =	task.clear_ibuf [dreg:s7], $0x5FFFF;
	_ =	strace $0x9000004C  }
0xb2: {  	s29 =	simm.s32 $0x9;
	_ =	strace $0x8000004E  }
0xb3: {  	_ =	swait.ge [sflag:s29], $0x1  }
0xb4: {  	[sflag:s29] =	ssyncadd.s32 $0xFFFFFFFF  }
0xb5: {  	_ =	strace $0x9000004E  }
0xb6: {  	_ =	sfence  }
0xb7: {  	s30 =	sld [smem:$0x0];
	_ =	sdelay $0x2  }
0xb8: {  	s31 =	sshll.u32 s1, $0xD;
	s1 =	sshrl.u32 s1, $0x2  }
0xb9: {  	s3 =	sand.u32 $0x4000, s31;
	s1 =	sadd.s32 s1, s30  }
0xba: {  	s0 =	sor.u32 s3, s0;
	s1 =	sshll.u32 s1, $0x11  }
0xbb: {  	s0 =	sor.u32 s1, s0  }
0xbc: {  	s0 =	sadd.s32 $0x8F2B, s0  }
0xbd: {  	[sflag:s0] =	ssyncadd.remote.s32 $0x1  }
0xbe: {  	_ =	sfence.sel $0xFFFF  }
0xbf: {  	[dreg:$0x0] =	wrdreg $0xFFFFFFFF;
	(pc) =	sbr.abs _section_cstart, $3  }
0xc0: {  	[dreg:$0x1] =	wrdreg $0xFFFFFFFF  }
0xc1: {  	_ =	task.clear_ibuf [dreg:s7], $0x2FFFF;
	_ =	strace $0x9FFFFFFF  }
0xc2: {  	(tm) =	ssettm $0x7FFFFFFF  }
0xc3: {  	_ =	shalt  }
tec
execute0_lowered:
.L_overlay_start_1:
0x0: {  	(tag) =	ssettag $0x1  }
0x1: {  	s5 =	rddreg [dreg:$0x0]  }
0x2: {  	s6 =	rddreg [dreg:$0x1];
	s2 =	simm.s32 $0x0  }
0x3: {  	s1 =	stileid.u32;
	s4 =	srdreg.scid;
	s13 =	simm.s32 $0x400  }
0x4: {  	s14 =	simm.s32 $0x1000;
	s15 =	simm.s32 $0x1;
	s16 =	simm.s32 $0x800  }
0x5: {  	s17 =	simm.s32 $0x2;
	s18 =	simm.s32 $0x0;
	[smem:$0x7FF] =	sst s2  }
0x6: {  	s3 =	sadd.s32 $0xD9E00, s5;
	s7 =	sshll.u32 s1, $0x8;
	s8 =	sshll.u32 s1, $0x4  }
0x7: {  	s10 =	sand.u32 $0x1, s4;
	s4 =	sadd.s32 $0x1C00, s5;
	s11 =	sshll.u32 s1, $0x13  }
0x8: {  	_ =	strace $0x8000004D;
	s7 =	sor.u32 s8, s7;
	s30 =	ssub.s32 $0x2, s10  }
.Ltmp0:
0x9: {  	s31 =	sadd.s32 s11, s3;
	p0 =	sne.s32 s10, $0x0;
	(pc) =	sbr.rel .LBB2_1-.Ltmp0, $4  }
0xa: {  	s10 =	simm.s32 $0x2080;
	s7 =	sand.u32 $0x870, s7;
	s9 =	sshrl.u32 s30, $0x1  }
0xb: {  	s11 =	simm.s32 $0x3;
	s12 =	sadd.s32 s7, s5;
	s9 =	ssub.s32 s30, s9  }
0xc: {  	s5 =	sadd.s32 s6, s7;
	s6 =	sshll.u32 s1, $0x16;
	s7 =	sadd.s32 $0x19820, s31  }
0xd: {  	v0 =	vimm.s32 $0x800;
	v1 =	vlaneseq.u32;
	s8 =	sadd.s32 $0x1E00, s12;
	s9 =	smax.u32 s9, $0x1;
	s12 =	simm.s32 $0x80  }
.LBB2_23:
0xe: {  	[hbm4b:s8+s12] =	stream.strided.scatter [tilespmem:s16], [sflag:$0x3], $0x800, s13, s12, $0x38;
	[tilespmem:$0x2100] =	vst v63  }
0xf: {  	_ =	swait.ge [sflag:s11], $0x800  }
0x10: {  	[sflag:s11] =	ssyncset.done $0x0  }
0x11: {  	[sflag:s11] =	ssyncadd.s32 $0xFFFFF800  }
.LBB2_24:
0x12: {  	s18 =	sadd.s32 $0x1, s18  }
0x13: {  	p1 =	sne.s32 s18, s9  }
.Ltmp1:
0x14: {  	_ = 	snop;
	(pc) =	sbr.rel @!p1 .LBB2_25-.Ltmp1, $1  }
0x15: {  	_ =	sdelay $0x3  }
.LBB2_1:
.Ltmp2:
0x16: {  	(pc) =	sbr.rel @p0 .LBB2_24-.Ltmp2, $4  }
0x17: {  	[tilespmem:s10], [sflag:$0x3] =	stream.linear.gather [hbm4b:s4+s2], $0x1, $0x38;
	[tilespmem:$0x2100] =	vst v63  }
0x18: {  	_ =	swait.ge [sflag:s11], $0x1  }
0x19: {  	[sflag:s11] =	ssyncset.done $0x0  }
0x1a: {  	[sflag:s11] =	ssyncadd.s32 $0xFFFFFFFF  }
0x1b: {  	s19 =	simm.s32 $0x0  }
0x1c: {  	v2 =	vld [tilespmem:$0x2080];
	[tilespmem:s19], [sflag:$0x3] =	stream.strided.gather [hbm4b:s5+s12], $0x800, s13, s12, $0x38  }
0x1d: {  	_ =	swait.ge [sflag:s11], $0x800  }
0x1e: {  	[sflag:s11] =	ssyncset.done $0x0  }
0x1f: {  	s20 =	simm.s32 $0x0;
	s19 =	simm.s32 $0x40;
	[sflag:s11] =	ssyncadd.s32 $0xFFFFF800  }
.LBB2_3:
0x20: {  	p1 =	sne.s32 s19, $0x1FC0;
	[tilespmem:s20+$0x800] =	vst v0;
	s20 =	smov.u32 s19;
	s19 =	sadd.s32 $0x40, s19  }
.Ltmp3:
0x21: {  	(pc) =	sbr.rel @p1 .LBB2_3-.Ltmp3, $2  }
0x22: {  	_ =	sdelay $0x2  }
0x23: {  	s20 =	sshra.s32 s20, $0x2  }
0x24: {  	[tilespmem:s20+$0x800] =	vst v0;
	s19 =	simm.s32 $0x0;
	s20 =	simm.s32 $0x19A;
	s21 =	simm.s32 $0x0  }
0x25: {  	v2 =	vbroadcast v2, $0x0;
	[tilespmem:s14], [sflag:$0x1] =	stream.strided.gather [hbm4b:s7+s12], $0x800, s13, s12, $0x38;
	[tilespmem:$0x2100] =	vst v63  }
.LBB2_5:
0x26: {  	s24 =	sshll.u32 s21, $0x1  }
0x27: {  	p2 =	seq.s32 s21, $0x332;
	s22 =	sadd.s32 $0x19B, s24  }
0x28: {  	s23 =	sshll.u32 @!p2 s22, $0xB  }
0x29: {  	s25 =	sshll.u32 @!p2 s22, $0x7;
	s23 =	sand.u32 @!p2 $0x7FC000, s23  }
0x2a: {  	s25 =	sand.u32 @!p2 $0x380, s25;
	s23 =	sadd.s32 @!p2 s6, s23  }
0x2b: {  	s23 =	sor.u32 @!p2 s25, s23  }
0x2c: {  	s26 =	simm.s32 @!p2 $0x400;
	s23 =	sshrl.u32 @!p2 s23, $0x3  }
0x2d: {  	s28 =	simm.s32 @!p2 $0x1800;
	s25 =	simm.s32 @!p2 $0x80;
	s23 =	sadd.s32 @!p2 s3, s23  }
0x2e: {  	[tilespmem:s28], [sflag:$0x2] =	stream.strided.gather @!p2 [hbm4b:s23+s25], $0x800, s26, s25, $0x38;
	[tilespmem:$0x2100] =	vst v63  }
0x2f: {  	_ =	swait.ge [sflag:s15], $0x800  }
0x30: {  	s0 =	sshrl.u32 s20, $0x4;
	[sflag:s15] =	ssyncset.done $0x0  }
0x31: {  	s25 =	sadd.s32 $0x1, s0;
	[sflag:s15] =	ssyncadd.s32 $0xFFFFF800  }
0x32: {  	s29 =	simm.s32 $0x1000;
	p1 =	sne.s32 s25, $0x1;
	v5 =	vld [tilespmem:s19+$0x0]  }
.Ltmp4:
0x33: {  	v4 =	vld [tilespmem:s29+$0x0];
	(pc) =	sbr.rel @!p1 .LBB2_7-.Ltmp4, $3  }
0x34: {  	_ =	sdelay $0x1  }
0x35: {  	s30 =	simm.s32 $0x10;
	s31 =	simm.s32 $0x1000;
	s26 =	sand.u32 $0xFFFFFFF0, s20  }
0x36: {  	v3 =	vimm.f32 $0.0e+00;
	s23 =	sadd.s32 $0x10, s26;
	s26 =	sadd.s32 $0x19A, s24;
	s28 =	sadd.s32 $0xFFFFFFFF, s25;
	vm0 =	vlt.f32 v5, v2  }
.LBB2_6:
0x37: {  	v5 =	vld [tilespmem:s30+$0x0];
	p3 =	sne.s32 s28, $0x1;
	s28 =	sadd.s32 $0xFFFFFFFF, s28;
	v6 =	vnsel vm0, $0x0, v4;
	s31 =	sadd.s32 $0x10, s31  }
.Ltmp5:
0x38: {  	v4 =	vld [tilespmem:s31+$0x0];
	v3 =	vadd.f32 v6, v3;
	(pc) =	sbr.rel @p3 .LBB2_6-.Ltmp5, $2  }
0x39: {  	_ =	sdelay $0x2  }
0x3a: {  	s30 =	sadd.s32 $0x10, s30;
	vm0 =	vlt.f32 v5, v2  }
.LBB2_7:
0x3b: {  	v4 =	vnsel vm0, $0x0, v4  }
0x3c: {  	v3 =	vadd.f32 v4, v3;
	_ =	sdelay $0x1  }
0x3d: {  	v4 =	vbroadcast v3, $0x0;
	v5 =	vbroadcast v3, $0x1;
	_ =	sdelay $0x1  }
0x3e: {  	v4 =	vadd.f32 v5, v4;
	v5 =	vbroadcast v3, $0x2;
	_ =	sdelay $0x1  }
0x3f: {  	v4 =	vadd.f32 v4, v5;
	v5 =	vbroadcast v3, $0x3;
	_ =	sdelay $0x1  }
0x40: {  	v4 =	vadd.f32 v4, v5;
	v5 =	vbroadcast v3, $0x4;
	_ =	sdelay $0x1  }
0x41: {  	v4 =	vadd.f32 v4, v5;
	v5 =	vbroadcast v3, $0x5;
	_ =	sdelay $0x1  }
0x42: {  	v4 =	vadd.f32 v4, v5;
	v5 =	vbroadcast v3, $0x6;
	_ =	sdelay $0x1  }
0x43: {  	v4 =	vadd.f32 v4, v5;
	v5 =	vbroadcast v3, $0x7;
	_ =	sdelay $0x1  }
0x44: {  	v4 =	vadd.f32 v4, v5;
	v5 =	vbroadcast v3, $0x8;
	_ =	sdelay $0x1  }
0x45: {  	v4 =	vadd.f32 v4, v5;
	v5 =	vbroadcast v3, $0x9;
	_ =	sdelay $0x1  }
0x46: {  	v4 =	vadd.f32 v4, v5;
	v5 =	vbroadcast v3, $0xA;
	_ =	sdelay $0x1  }
0x47: {  	v4 =	vadd.f32 v4, v5;
	v5 =	vbroadcast v3, $0xB;
	_ =	sdelay $0x1  }
0x48: {  	v4 =	vadd.f32 v4, v5;
	v5 =	vbroadcast v3, $0xC;
	_ =	sdelay $0x1  }
0x49: {  	v4 =	vadd.f32 v4, v5;
	v5 =	vbroadcast v3, $0xD;
	_ =	sdelay $0x1  }
0x4a: {  	v4 =	vadd.f32 v4, v5;
	v5 =	vbroadcast v3, $0xE;
	_ =	sdelay $0x1  }
0x4b: {  	v3 =	vbroadcast v3, $0xF;
	v4 =	vadd.f32 v4, v5;
	_ =	sdelay $0x1  }
0x4c: {  	v3 =	vadd.f32 v4, v3;
	_ =	sdelay $0x1  }
0x4d: {  	(erf) = vrcp.f32 v3;
	_ =	sdelay $0x2  }
0x4e: {  	s28 =	simm.s32 $0x0  }
0x4f: {  	s30 =	scvt.s32.f32 s22;
	p4 =	sne.s32 s23, $0x10;
	v3 =	vor.u32 s28, v1  }
.Ltmp6:
0x50: {  	v4 =	vcvt.s32.f32 v3;
	(pc) =	sbr.rel @!p4 .LBB2_8-.Ltmp6, $4  }
0x51: {  	v8 =	vmov s30  }
0x52: {  	v6 =	vsub.f32 v8, v4  }
0x53: {  	s30 =	sadd.s32 $0xA4, s24  }
0x54: {  	p3 =	por $0x0, $0x0;
	v5 =	vmov s30;
	s30 =	simm.s32 $0x10;
	v4 =	vimm.s32 $0x1000;
	v7 =	vpop (erf);
	(erf) = vrcp.f32 v6  }
0x55: {  	v6 =	vld [tilespmem:s29+$0x0];
	_ =	sdelay $0x1  }
0x56: {  	v9 =	vld [tilespmem:s28+$0x0];
	_ =	sdelay $0x1  }
0x57: {  	v10 =	vor.u32 s30, v1;
	p4 =	sne.s32 s23, $0x20  }
.Ltmp7:
0x58: {  	v11 =	vcvt.s32.f32 v10;
	v6 =	vmul.f32 v6, v7;
	(pc) =	sbr.rel @!p4 .LBB2_10-.Ltmp7, $4  }
0x59: {  	_ = 	snop  }
0x5a: {  	v11 =	vsub.f32 v8, v11;
	v6 =	vadd.f32 v6, v9  }
0x5b: {  	s31 =	simm.s32 $0x20;
	vm0 =	vgt.s32 v3, $0x28;
	vm1 =	vle.s32 v3, v5;
	v9 =	vpop (erf)  }
0x5c: {  	s29 =	simm.s32 $0x1010;
	p3 =	por $0x1, $0x1;
	s30 =	simm.s32 $0x0;
	(erf) = vrcp.f32 v11;
	[tilespmem:s28+$0x0] =	vst v6;
	v11 =	vmul.f32 v6, v9;
	v9 =	vmovc v2;
	v6 =	vimm.s32 $0x1000  }
.LBB2_11:
0x5d: {  	v12 =	vld [tilespmem:s29+$0x0];
	vm0 =	vmand vm0, vm1;
	s0 =	smov.u32 s31;
	s31 =	sadd.s32 $0x10, s31  }
0x5e: {  	s30 =	sadd.s32 $0x10, s30;
	p4 =	sne.s32 s23, s31;
	v11 =	vsel vm0, v11, v2  }
0x5f: {  	v13 =	vld [tilespmem:s30+$0x0];
	vm0 =	vlt.f32 v11, v9  }
0x60: {  	v9 =	vsel vm0, v11, v9;
	v6 =	vsel vm0, v3, v6;
	v3 =	vmov v10  }
0x61: {  	v10 =	vor.u32 s0, v1  }
.Ltmp8:
0x62: {  	v11 =	vcvt.s32.f32 v10;
	v12 =	vmul.f32 v12, v7;
	(pc) =	sbr.rel @p4 .LBB2_11-.Ltmp8, $4  }
0x63: {  	_ = 	snop  }
0x64: {  	v11 =	vsub.f32 v8, v11;
	v12 =	vadd.f32 v12, v13  }
0x65: {  	vm0 =	vgt.s32 v3, $0x28;
	v13 =	vpop (erf)  }
0x66: {  	s29 =	sadd.s32 $0x10, s29;
	vm1 =	vle.s32 v3, v5;
	(erf) = vrcp.f32 v11;
	[tilespmem:s30+$0x0] =	vst v12;
	v11 =	vmul.f32 v12, v13  }
0x67: {  	v8 =	vmov v3;
	v3 =	vmov v10  }
.LBB2_13:
0x68: {  	v10 =	vld [tilespmem:s29+$0x0];
	s0 =	sadd.s32 @p3 $0x10, s30  }
0x69: {  	s28 =	smov.u32 @p3 s0  }
0x6a: {  	v12 =	vld [tilespmem:s28+$0x0];
	_ =	sdelay $0x2  }
0x6b: {  	v7 =	vmul.f32 v10, v7;
	_ =	sdelay $0x1  }
0x6c: {  	vm0 =	vmand @p3 vm0, vm1;
	v7 =	vadd.f32 v7, v12  }
0x6d: {  	vm13 =	vgt.s32 v3, $0x28;
	v10 =	vsel @p3 vm0, v11, v2;
	v27 =	vpop (erf)  }
0x6e: {  	vm2 =	vle.s32 v3, v5;
	vm0 =	vlt.f32 @p3 v10, v9;
	v11 =	vmul.f32 v7, v27  }
0x6f: {  	vm1 =	vmand vm13, vm2;
	v5 =	vsel @p3 vm0, v10, v9  }
0x70: {  	v5 =	vpsel p3, v5, v2;
	v28 =	vsel vm1, v11, v2  }
0x71: {  	vm1 =	vlt.f32 v28, v5  }
0x72: {  	v5 =	vsel vm1, v28, v5  }
0x73: {  	v9 =	vbroadcast v5, $0x0;
	v29 =	vbroadcast v5, $0x1  }
0x74: {  	v30 =	vbroadcast v5, $0x2  }
0x75: {  	v31 =	vbroadcast v5, $0x3;
	v9 =	vmin.f32 v9, v29  }
0x76: {  	v32 =	vbroadcast v5, $0x4;
	v9 =	vmin.f32 v9, v30  }
0x77: {  	v33 =	vbroadcast v5, $0x5;
	v9 =	vmin.f32 v9, v31  }
0x78: {  	v34 =	vbroadcast v5, $0x6;
	v9 =	vmin.f32 v9, v32  }
0x79: {  	v35 =	vbroadcast v5, $0x7;
	v9 =	vmin.f32 v9, v33  }
0x7a: {  	v36 =	vbroadcast v5, $0x8;
	v9 =	vmin.f32 v9, v34  }
0x7b: {  	v37 =	vbroadcast v5, $0x9;
	v9 =	vmin.f32 v9, v35  }
0x7c: {  	v38 =	vbroadcast v5, $0xA;
	v9 =	vmin.f32 v9, v36  }
0x7d: {  	v39 =	vbroadcast v5, $0xB;
	v9 =	vmin.f32 v9, v37  }
0x7e: {  	v40 =	vbroadcast v5, $0xC;
	v9 =	vmin.f32 v9, v38  }
0x7f: {  	v41 =	vbroadcast v5, $0xD;
	v9 =	vmin.f32 v9, v39  }
0x80: {  	v42 =	vbroadcast v5, $0xE;
	v9 =	vmin.f32 v9, v40  }
0x81: {  	v43 =	vbroadcast v5, $0xF;
	v9 =	vmin.f32 v9, v41  }
0x82: {  	v6 =	vsel @p3 vm0, v8, v6;
	v44 =	vmin.f32 v9, v42  }
0x83: {  	v4 =	vpsel p3, v6, v4;
	v45 =	vmin.f32 v44, v43  }
0x84: {  	v3 =	vsel vm1, v3, v4;
	vm14 =	veq.f32 v5, v45  }
0x85: {  	v3 =	vnsel vm14, $0x1000, v3  }
0x86: {  	v46 =	vbroadcast v3, $0x0;
	v47 =	vbroadcast v3, $0x1;
	_ =	sdelay $0x1  }
0x87: {  	v48 =	vbroadcast v3, $0x2;
	vm15 =	vlt.s32 v46, v47  }
0x88: {  	v4 =	vsel vm15, v46, v47  }
0x89: {  	v49 =	vbroadcast v3, $0x3;
	vm0 =	vlt.s32 v4, v48  }
0x8a: {  	v4 =	vsel vm0, v4, v48  }
0x8b: {  	v50 =	vbroadcast v3, $0x4;
	vm0 =	vlt.s32 v4, v49  }
0x8c: {  	v4 =	vsel vm0, v4, v49  }
0x8d: {  	v51 =	vbroadcast v3, $0x5;
	vm0 =	vlt.s32 v4, v50  }
0x8e: {  	v4 =	vsel vm0, v4, v50  }
0x8f: {  	v52 =	vbroadcast v3, $0x6;
	vm0 =	vlt.s32 v4, v51  }
0x90: {  	v4 =	vsel vm0, v4, v51  }
0x91: {  	v53 =	vbroadcast v3, $0x7;
	vm0 =	vlt.s32 v4, v52  }
0x92: {  	v4 =	vsel vm0, v4, v52  }
0x93: {  	v54 =	vbroadcast v3, $0x8;
	vm0 =	vlt.s32 v4, v53  }
0x94: {  	v4 =	vsel vm0, v4, v53  }
0x95: {  	v55 =	vbroadcast v3, $0x9;
	vm0 =	vlt.s32 v4, v54  }
0x96: {  	v4 =	vsel vm0, v4, v54  }
0x97: {  	v56 =	vbroadcast v3, $0xA;
	vm0 =	vlt.s32 v4, v55  }
0x98: {  	v4 =	vsel vm0, v4, v55  }
0x99: {  	v57 =	vbroadcast v3, $0xB;
	vm0 =	vlt.s32 v4, v56  }
0x9a: {  	v4 =	vsel vm0, v4, v56  }
0x9b: {  	v58 =	vbroadcast v3, $0xC;
	vm0 =	vlt.s32 v4, v57  }
0x9c: {  	v4 =	vsel vm0, v4, v57  }
0x9d: {  	v59 =	vbroadcast v3, $0xD;
	vm0 =	vlt.s32 v4, v58  }
0x9e: {  	v4 =	vsel vm0, v4, v58  }
0x9f: {  	v60 =	vbroadcast v3, $0xE;
	vm0 =	vlt.s32 v4, v59  }
0xa0: {  	v4 =	vsel vm0, v4, v59  }
0xa1: {  	v3 =	vbroadcast v3, $0xF;
	vm0 =	vlt.s32 v4, v60  }
0xa2: {  	v4 =	vsel vm0, v4, v60  }
0xa3: {  	vm0 =	vlt.s32 v4, v3  }
0xa4: {  	v3 =	vsel vm0, v4, v3  }
0xa5: {  	(v2sf) =	vpush v3, $0x0;
	_ =	sdelay $0xe  }
0xa6: {  	s0 =	spop (v2sf)  }
0xa7: {  	s30 =	sand.u32 $0xF, s0  }
0xa8: {  	s31 =	sshra.s32 s0, $0x1F;
	p4 =	slt.s32 s0, $0x1;
	p6 =	sne.s32 s30, $0x0  }
0xa9: {  	s29 =	sshrl.u32 s31, $0x1C;
	p3 =	por !p4, !p6  }
0xaa: {  	s0 =	sadd.s32 s29, s0;
	s29 =	simm.s32 $0x1;
	p3 =	por !p3, !p3  }
0xab: {  	s0 =	sshrl.u32 s0, $0x4;
	s29 =	simm.s32 @!p3 $0x0  }
0xac: {  	[tilespmem:s28+$0x0] =	vst v7;
	s0 =	ssub.s32 s0, s29  }
0xad: {  	[tilespmem:$0x2000] =	vst v3;
	s0 =	sshll.u32 s0, $0x4  }
0xae: {  	v61 =	vld [tilespmem:s0+$0x0]  }
0xaf: {  	v62 =	vld [tilespmem:s0+$0x800];
	_ =	sdelay $0x1  }
.Ltmp9:
0xb0: {  	v63 =	vor.u32 s0, v1;
	(pc) =	sbr.rel @p2 .LBB2_23-.Ltmp9, $4  }
0xb1: {  	vm0 =	veq.s32 v63, v3  }
0xb2: {  	v3 =	vsel vm0, v2, v61  }
0xb3: {  	[tilespmem:s0+$0x0] =	vst v3;
	v3 =	vsel vm0, s26, v62  }
0xb4: {  	[tilespmem:s0+$0x800] =	vst v3  }
0xb5: {  	s29 =	sadd.s32 $0x19C, s24  }
0xb6: {  	s0 =	sshll.u32 s29, $0xB  }
0xb7: {  	s26 =	sshll.u32 s29, $0x7;
	s0 =	sand.u32 $0x7FC000, s0  }
0xb8: {  	s26 =	sand.u32 $0x300, s26;
	s0 =	sadd.s32 s6, s0  }
0xb9: {  	s0 =	sor.u32 s26, s0  }
0xba: {  	s0 =	sshrl.u32 s0, $0x3  }
0xbb: {  	s0 =	sadd.s32 s3, s0  }
0xbc: {  	[tilespmem:s14], [sflag:$0x1] =	stream.strided.gather [hbm4b:s0+s12], $0x800, s13, s12, $0x38;
	[tilespmem:$0x2100] =	vst v63  }
0xbd: {  	_ =	swait.ge [sflag:s17], $0x800  }
0xbe: {  	[sflag:s17] =	ssyncset.done $0x0  }
0xbf: {  	s26 =	simm.s32 $0x0;
	[sflag:s17] =	ssyncadd.s32 $0xFFFFF800  }
0xc0: {  	s28 =	simm.s32 $0x1800;
	v5 =	vld [tilespmem:s26+$0x0]  }
.Ltmp10:
0xc1: {  	v4 =	vld [tilespmem:s28+$0x0];
	(pc) =	sbr.rel @!p1 .LBB2_16-.Ltmp10, $2  }
0xc2: {  	_ =	sdelay $0x2  }
0xc3: {  	v3 =	vimm.f32 $0.0e+00;
	s25 =	sadd.s32 $0xFFFFFFFF, s25;
	s30 =	simm.s32 $0x10;
	s31 =	simm.s32 $0x1800;
	vm0 =	vlt.f32 v5, v2  }
.LBB2_15:
0xc4: {  	v5 =	vld [tilespmem:s30+$0x0];
	p1 =	sne.s32 s25, $0x1;
	s25 =	sadd.s32 $0xFFFFFFFF, s25;
	v6 =	vnsel vm0, $0x0, v4;
	s31 =	sadd.s32 $0x10, s31  }
.Ltmp11:
0xc5: {  	v4 =	vld [tilespmem:s31+$0x0];
	v3 =	vadd.f32 v6, v3;
	(pc) =	sbr.rel @p1 .LBB2_15-.Ltmp11, $2  }
0xc6: {  	_ =	sdelay $0x2  }
0xc7: {  	s30 =	sadd.s32 $0x10, s30;
	vm0 =	vlt.f32 v5, v2  }
.LBB2_16:
0xc8: {  	v4 =	vnsel vm0, $0x0, v4  }
0xc9: {  	v3 =	vadd.f32 v4, v3;
	_ =	sdelay $0x1  }
0xca: {  	v4 =	vbroadcast v3, $0x0;
	v5 =	vbroadcast v3, $0x1;
	_ =	sdelay $0x1  }
0xcb: {  	v4 =	vadd.f32 v5, v4;
	v5 =	vbroadcast v3, $0x2;
	_ =	sdelay $0x1  }
0xcc: {  	v4 =	vadd.f32 v4, v5;
	v5 =	vbroadcast v3, $0x3;
	_ =	sdelay $0x1  }
0xcd: {  	v4 =	vadd.f32 v4, v5;
	v5 =	vbroadcast v3, $0x4;
	_ =	sdelay $0x1  }
0xce: {  	v4 =	vadd.f32 v4, v5;
	v5 =	vbroadcast v3, $0x5;
	_ =	sdelay $0x1  }
0xcf: {  	v4 =	vadd.f32 v4, v5;
	v5 =	vbroadcast v3, $0x6;
	_ =	sdelay $0x1  }
0xd0: {  	v4 =	vadd.f32 v4, v5;
	v5 =	vbroadcast v3, $0x7;
	_ =	sdelay $0x1  }
0xd1: {  	v4 =	vadd.f32 v4, v5;
	v5 =	vbroadcast v3, $0x8;
	_ =	sdelay $0x1  }
0xd2: {  	v4 =	vadd.f32 v4, v5;
	v5 =	vbroadcast v3, $0x9;
	_ =	sdelay $0x1  }
0xd3: {  	v4 =	vadd.f32 v4, v5;
	v5 =	vbroadcast v3, $0xA;
	_ =	sdelay $0x1  }
0xd4: {  	v4 =	vadd.f32 v4, v5;
	v5 =	vbroadcast v3, $0xB;
	_ =	sdelay $0x1  }
0xd5: {  	v4 =	vadd.f32 v4, v5;
	v5 =	vbroadcast v3, $0xC;
	_ =	sdelay $0x1  }
0xd6: {  	v4 =	vadd.f32 v4, v5;
	v5 =	vbroadcast v3, $0xD;
	_ =	sdelay $0x1  }
0xd7: {  	v4 =	vadd.f32 v4, v5;
	v5 =	vbroadcast v3, $0xE;
	_ =	sdelay $0x1  }
0xd8: {  	v3 =	vbroadcast v3, $0xF;
	v4 =	vadd.f32 v4, v5;
	_ =	sdelay $0x1  }
0xd9: {  	v3 =	vadd.f32 v4, v3;
	_ =	sdelay $0x1  }
0xda: {  	(erf) = vrcp.f32 v3;
	_ =	sdelay $0x3  }
0xdb: {  	s0 =	scvt.s32.f32 s29;
	p2 =	sne.s32 s23, $0x10;
	v3 =	vor.u32 s26, v1  }
.Ltmp12:
0xdc: {  	v4 =	vcvt.s32.f32 v3;
	(pc) =	sbr.rel @!p2 .LBB2_17-.Ltmp12, $4  }
0xdd: {  	v8 =	vmov s0  }
0xde: {  	v6 =	vsub.f32 v8, v4  }
0xdf: {  	s31 =	sadd.s32 $0xA5, s24  }
0xe0: {  	s24 =	simm.s32 $0x10;
	p1 =	por $0x0, $0x0;
	v5 =	vmov s31;
	v4 =	vimm.s32 $0x1000;
	v7 =	vpop (erf);
	(erf) = vrcp.f32 v6  }
0xe1: {  	v6 =	vld [tilespmem:s28+$0x0];
	_ =	sdelay $0x1  }
0xe2: {  	v9 =	vld [tilespmem:s26+$0x0];
	_ =	sdelay $0x1  }
0xe3: {  	v10 =	vor.u32 s24, v1;
	p2 =	sne.s32 s23, $0x20  }
.Ltmp13:
0xe4: {  	v11 =	vcvt.s32.f32 v10;
	v6 =	vmul.f32 v6, v7;
	(pc) =	sbr.rel @!p2 .LBB2_19-.Ltmp13, $4  }
0xe5: {  	_ = 	snop  }
0xe6: {  	v11 =	vsub.f32 v8, v11;
	v6 =	vadd.f32 v6, v9  }
0xe7: {  	s25 =	simm.s32 $0x20;
	vm0 =	vgt.s32 v3, $0x28;
	vm1 =	vle.s32 v3, v5;
	v9 =	vpop (erf)  }
0xe8: {  	s28 =	simm.s32 $0x1810;
	p1 =	por $0x1, $0x1;
	s24 =	simm.s32 $0x0;
	(erf) = vrcp.f32 v11;
	[tilespmem:s26+$0x0] =	vst v6;
	v11 =	vmul.f32 v6, v9;
	v9 =	vmovc v2;
	v6 =	vimm.s32 $0x1000  }
.LBB2_20:
0xe9: {  	v12 =	vld [tilespmem:s28+$0x0];
	vm0 =	vmand vm0, vm1;
	s0 =	smov.u32 s25;
	s25 =	sadd.s32 $0x10, s25  }
0xea: {  	s24 =	sadd.s32 $0x10, s24;
	p2 =	sne.s32 s23, s25;
	v11 =	vsel vm0, v11, v2  }
0xeb: {  	v13 =	vld [tilespmem:s24+$0x0];
	vm0 =	vlt.f32 v11, v9  }
0xec: {  	v9 =	vsel vm0, v11, v9;
	v6 =	vsel vm0, v3, v6;
	v3 =	vmov v10  }
0xed: {  	v10 =	vor.u32 s0, v1  }
.Ltmp14:
0xee: {  	v11 =	vcvt.s32.f32 v10;
	v12 =	vmul.f32 v12, v7;
	(pc) =	sbr.rel @p2 .LBB2_20-.Ltmp14, $4  }
0xef: {  	_ = 	snop  }
0xf0: {  	v11 =	vsub.f32 v8, v11;
	v12 =	vadd.f32 v12, v13  }
0xf1: {  	vm0 =	vgt.s32 v3, $0x28;
	v13 =	vpop (erf)  }
0xf2: {  	s28 =	sadd.s32 $0x10, s28;
	vm1 =	vle.s32 v3, v5;
	(erf) = vrcp.f32 v11;
	[tilespmem:s24+$0x0] =	vst v12;
	v11 =	vmul.f32 v12, v13  }
0xf3: {  	v8 =	vmov v3;
	v3 =	vmov v10  }
.LBB2_22:
0xf4: {  	v10 =	vld [tilespmem:s28+$0x0];
	s0 =	sadd.s32 @p1 $0x10, s24  }
0xf5: {  	s26 =	smov.u32 @p1 s0  }
0xf6: {  	v12 =	vld [tilespmem:s26+$0x0];
	_ =	sdelay $0x2  }
0xf7: {  	v7 =	vmul.f32 v10, v7;
	_ =	sdelay $0x1  }
0xf8: {  	vm0 =	vmand @p1 vm0, vm1;
	v7 =	vadd.f32 v7, v12  }
0xf9: {  	vm13 =	vgt.s32 v3, $0x28;
	v10 =	vsel @p1 vm0, v11, v2;
	v27 =	vpop (erf)  }
0xfa: {  	vm2 =	vle.s32 v3, v5;
	vm0 =	vlt.f32 @p1 v10, v9;
	v11 =	vmul.f32 v7, v27  }
0xfb: {  	vm1 =	vmand vm13, vm2;
	v5 =	vsel @p1 vm0, v10, v9  }
0xfc: {  	v5 =	vpsel p1, v5, v2;
	v28 =	vsel vm1, v11, v2  }
0xfd: {  	vm1 =	vlt.f32 v28, v5  }
0xfe: {  	v5 =	vsel vm1, v28, v5  }
0xff: {  	v9 =	vbroadcast v5, $0x0;
	v29 =	vbroadcast v5, $0x1  }
0x100: {  	v30 =	vbroadcast v5, $0x2  }
0x101: {  	v31 =	vbroadcast v5, $0x3;
	v9 =	vmin.f32 v9, v29  }
0x102: {  	v32 =	vbroadcast v5, $0x4;
	v9 =	vmin.f32 v9, v30  }
0x103: {  	v33 =	vbroadcast v5, $0x5;
	v9 =	vmin.f32 v9, v31  }
0x104: {  	v34 =	vbroadcast v5, $0x6;
	v9 =	vmin.f32 v9, v32  }
0x105: {  	v35 =	vbroadcast v5, $0x7;
	v9 =	vmin.f32 v9, v33  }
0x106: {  	v36 =	vbroadcast v5, $0x8;
	v9 =	vmin.f32 v9, v34  }
0x107: {  	v37 =	vbroadcast v5, $0x9;
	v9 =	vmin.f32 v9, v35  }
0x108: {  	v38 =	vbroadcast v5, $0xA;
	v9 =	vmin.f32 v9, v36  }
0x109: {  	v39 =	vbroadcast v5, $0xB;
	v9 =	vmin.f32 v9, v37  }
0x10a: {  	v40 =	vbroadcast v5, $0xC;
	v9 =	vmin.f32 v9, v38  }
0x10b: {  	v41 =	vbroadcast v5, $0xD;
	v9 =	vmin.f32 v9, v39  }
0x10c: {  	v42 =	vbroadcast v5, $0xE;
	v9 =	vmin.f32 v9, v40  }
0x10d: {  	v43 =	vbroadcast v5, $0xF;
	v9 =	vmin.f32 v9, v41  }
0x10e: {  	v6 =	vsel @p1 vm0, v8, v6;
	v44 =	vmin.f32 v9, v42  }
0x10f: {  	v4 =	vpsel p1, v6, v4;
	v45 =	vmin.f32 v44, v43  }
0x110: {  	v3 =	vsel vm1, v3, v4;
	vm14 =	veq.f32 v5, v45  }
0x111: {  	v3 =	vnsel vm14, $0x1000, v3  }
0x112: {  	v46 =	vbroadcast v3, $0x0;
	v47 =	vbroadcast v3, $0x1;
	_ =	sdelay $0x1  }
0x113: {  	v48 =	vbroadcast v3, $0x2;
	vm15 =	vlt.s32 v46, v47  }
0x114: {  	v4 =	vsel vm15, v46, v47  }
0x115: {  	v49 =	vbroadcast v3, $0x3;
	vm0 =	vlt.s32 v4, v48  }
0x116: {  	v4 =	vsel vm0, v4, v48  }
0x117: {  	v50 =	vbroadcast v3, $0x4;
	vm0 =	vlt.s32 v4, v49  }
0x118: {  	v4 =	vsel vm0, v4, v49  }
0x119: {  	v51 =	vbroadcast v3, $0x5;
	vm0 =	vlt.s32 v4, v50  }
0x11a: {  	v4 =	vsel vm0, v4, v50  }
0x11b: {  	v52 =	vbroadcast v3, $0x6;
	vm0 =	vlt.s32 v4, v51  }
0x11c: {  	v4 =	vsel vm0, v4, v51  }
0x11d: {  	v53 =	vbroadcast v3, $0x7;
	vm0 =	vlt.s32 v4, v52  }
0x11e: {  	v4 =	vsel vm0, v4, v52  }
0x11f: {  	v54 =	vbroadcast v3, $0x8;
	vm0 =	vlt.s32 v4, v53  }
0x120: {  	v4 =	vsel vm0, v4, v53  }
0x121: {  	v55 =	vbroadcast v3, $0x9;
	vm0 =	vlt.s32 v4, v54  }
0x122: {  	v4 =	vsel vm0, v4, v54  }
0x123: {  	v56 =	vbroadcast v3, $0xA;
	vm0 =	vlt.s32 v4, v55  }
0x124: {  	v4 =	vsel vm0, v4, v55  }
0x125: {  	v57 =	vbroadcast v3, $0xB;
	vm0 =	vlt.s32 v4, v56  }
0x126: {  	v4 =	vsel vm0, v4, v56  }
0x127: {  	v58 =	vbroadcast v3, $0xC;
	vm0 =	vlt.s32 v4, v57  }
0x128: {  	v4 =	vsel vm0, v4, v57  }
0x129: {  	v59 =	vbroadcast v3, $0xD;
	vm0 =	vlt.s32 v4, v58  }
0x12a: {  	v4 =	vsel vm0, v4, v58  }
0x12b: {  	v60 =	vbroadcast v3, $0xE;
	vm0 =	vlt.s32 v4, v59  }
0x12c: {  	v4 =	vsel vm0, v4, v59  }
0x12d: {  	v3 =	vbroadcast v3, $0xF;
	vm0 =	vlt.s32 v4, v60  }
0x12e: {  	v4 =	vsel vm0, v4, v60  }
0x12f: {  	vm0 =	vlt.s32 v4, v3  }
0x130: {  	v3 =	vsel vm0, v4, v3  }
0x131: {  	(v2sf) =	vpush v3, $0x0;
	_ =	sdelay $0xe  }
0x132: {  	s30 =	spop (v2sf)  }
0x133: {  	s23 =	sand.u32 $0xF, s30  }
0x134: {  	s31 =	sshra.s32 s30, $0x1F;
	p2 =	slt.s32 s30, $0x1;
	p6 =	sne.s32 s23, $0x0  }
0x135: {  	s23 =	sshrl.u32 s31, $0x1C;
	p1 =	por !p2, !p6  }
0x136: {  	s0 =	sadd.s32 s23, s30;
	s23 =	simm.s32 $0x1;
	p1 =	por !p1, !p1  }
0x137: {  	s0 =	sshrl.u32 s0, $0x4;
	s23 =	simm.s32 @!p1 $0x0  }
0x138: {  	[tilespmem:s26+$0x0] =	vst v7;
	s0 =	ssub.s32 s0, s23  }
0x139: {  	[tilespmem:$0x2000] =	vst v3;
	s0 =	sshll.u32 s0, $0x4  }
0x13a: {  	v61 =	vld [tilespmem:s0+$0x0]  }
0x13b: {  	v62 =	vld [tilespmem:s0+$0x800];
	_ =	sdelay $0x1  }
.Ltmp15:
0x13c: {  	v63 =	vor.u32 s0, v1;
	(pc) =	sbr.rel .LBB2_5-.Ltmp15, $4  }
0x13d: {  	vm0 =	veq.s32 v63, v3  }
0x13e: {  	v3 =	vsel vm0, v2, v61  }
0x13f: {  	[tilespmem:s0+$0x0] =	vst v3;
	v3 =	vsel vm0, s22, v62  }
0x140: {  	s21 =	sadd.s32 $0x1, s21;
	s20 =	sadd.s32 $0x2, s20;
	[tilespmem:s0+$0x800] =	vst v3  }
.LBB2_8:
.Ltmp16:
0x141: {  	(pc) =	sbr.rel .LBB2_13-.Ltmp16, $2  }
0x142: {  	_ =	sdelay $0x2  }
0x143: {  	s30 =	simm.s32 $0x0;
	v9 =	vmov v2;
	v6 =	vimm.s32 $0x1000  }
.LBB2_10:
.Ltmp17:
0x144: {  	(pc) =	sbr.rel .LBB2_13-.Ltmp17, $2  }
0x145: {  	_ =	sdelay $0x2  }
0x146: {  	v8 =	vmovc v3;
	s30 =	simm.s32 $0x0;
	v9 =	vmov v2;
	v6 =	vimm.s32 $0x1000;
	v3 =	vmov v10  }
.LBB2_17:
.Ltmp18:
0x147: {  	(pc) =	sbr.rel .LBB2_22-.Ltmp18, $2  }
0x148: {  	_ =	sdelay $0x2  }
0x149: {  	s24 =	simm.s32 $0x0;
	v9 =	vmov v2;
	v6 =	vimm.s32 $0x1000  }
.LBB2_19:
.Ltmp19:
0x14a: {  	(pc) =	sbr.rel .LBB2_22-.Ltmp19, $2  }
0x14b: {  	_ =	sdelay $0x2  }
0x14c: {  	v8 =	vmovc v3;
	s24 =	simm.s32 $0x0;
	v9 =	vmov v2;
	v6 =	vimm.s32 $0x1000;
	v3 =	vmov v10  }
.LBB2_25:
0x14d: {  	_ =	sfence.sel $0x180000  }
0x14e: {  	[bflag:$0x0] =	sbarrier.arrive $0xFFFF  }
0x14f: {  	_ =	strace $0x9000004D  }
0x150: {  	[bflag:$0x2] =	sbarrier.arrive $0xFFFF  }
0x151: {  	p0 =	sne.s32 s1, $0x0;
	s0 =	rddreg [dreg:$0x2]  }
0x152: {  	s0 =	sadd.s32 @!p0 $0x100000, s0  }
0x153: {  	[sflag:s0] =	ssyncadd.tile.s32 @!p0 $0x1;
	_ =	shalt  }
.Lfunc_end2:
_tile_overlayer_lowered:
.L_overlay_start_2:
0x154: {  	(tag) =	ssettag $0x2  }
0x155: {  	s0 =	rddreg [dreg:$0x0];
	s2 =	stileid.u32  }
0x156: {  	s1 =	rddreg [dreg:$0x1];
	p0 =	sne.s32 s2, $0x0  }
0x157: {  	s3 =	rddreg [dreg:$0x2];
	[bflag:$0x3] =	sbarrier.arrive $0xFFFF;
	s2 =	simm.s32 @!p0 $0x1C03  }
0x158: {  	[timem:s3], [sflag:s2] =	dma.local @!p0 [hbm:s0], s1  }
0x159: {  	s0 =	simm.s32 @!p0 $0x3  }
0x15a: {  	_ =	swait.ge @!p0 [sflag:s0], s1  }
0x15b: {  	s1 =	ssub.s32 @!p0 $0x0, s1;
	[sflag:s0] =	ssyncset.done @!p0 $0x0  }
0x15c: {  	[sflag:s0] =	ssyncadd.s32 @!p0 s1  }
0x15d: {  	[bflag:$0x3] =	sbarrier.arrive $0xFFFF  }
0x15e: {  	_ =	shalt  }

</sc_bundles>
